<compile_context>
chip_gen: v7x
topology: tpu7x:2x2x1
jax: 0.10.2.dev20260603
libtpu: 0.0.44.dev20260713+nightly
codegen_flags: <defaults>
</compile_context>

<pallas_src>
import jax
import jax.numpy as jnp
from jax import lax
from jax.experimental import pallas as pl
from jax.experimental.pallas import tpu as pltpu
from jax.experimental.pallas import tpu_sc as plsc

_VOCAB = 100000
_MAX_LEN = 200
_D = 64
_BATCH = 4096

_NC = 2
_NS = 16
_NW = _NC * _NS

_N_ROWS = _BATCH * _MAX_LEN
_PER_W = _N_ROWS // _NW
_CHUNK = 100
_N_CHUNKS = _PER_W // _CHUNK
_NBUF = 4
_LOOK = 2
_N_ROUNDS = _N_CHUNKS // _NBUF


def _body(x_ref, tok_ref, pos_ref, out_ref, idx_v, rows_v, pos_v, *sems):
    in_sems = sems[:_NBUF]
    out_sems = sems[_NBUF:]
    wid = lax.axis_index("c") * _NS + lax.axis_index("s")
    cbase = wid * _N_CHUNKS

    pltpu.sync_copy(x_ref.at[wid], idx_v)
    pltpu.sync_copy(pos_ref, pos_v)

    def gather_start(g, b):
        pltpu.async_copy(tok_ref.at[idx_v.at[g]], rows_v.at[b], in_sems[b])

    def gather_wait(g, b):
        pltpu.make_async_copy(
            tok_ref.at[idx_v.at[g]], rows_v.at[b], in_sems[b]).wait()

    def store_start(g, b):
        pltpu.async_copy(rows_v.at[b], out_ref.at[cbase + g], out_sems[b])

    def store_wait(b):
        pltpu.make_async_copy(rows_v.at[b], out_ref.at[0], out_sems[b]).wait()

    gather_start(0, 0)
    gather_start(1, 1)

    def round_body(r, _):
        for b in range(_NBUF):
            g = r * _NBUF + b
            bi = (b + _LOOK) % _NBUF
            @pl.when(g >= _LOOK)
            def _():
                store_wait(bi)

            @pl.when(g + _LOOK < _N_CHUNKS)
            def _():
                gather_start(g + _LOOK, bi)
            gather_wait(g, b)

            po = (b % 2) * _CHUNK

            @plsc.parallel_loop(0, _CHUNK, step=1, unroll=8)
            def add_row(row):
                for k in range(_D // 16):
                    sl = pl.ds(k * 16, 16)
                    rows_v[b, row, sl] += pos_v[po + row, sl]

            store_start(g, b)
        return 0

    lax.fori_loop(0, _N_ROUNDS, round_body, 0)

    store_wait((_N_CHUNKS - 2) % _NBUF)
    store_wait((_N_CHUNKS - 1) % _NBUF)


@jax.jit
def kernel(x, token_table, pos_table):
    x3 = x.astype(jnp.int32).reshape(_NW, _N_CHUNKS, _CHUNK)
    mesh = plsc.VectorSubcoreMesh(core_axis_name="c", subcore_axis_name="s")
    out = pl.kernel(
        _body,
        out_type=jax.ShapeDtypeStruct((_NW * _N_CHUNKS, _CHUNK, _D), jnp.float32),
        mesh=mesh,
        scratch_types=[
            pltpu.VMEM((_N_CHUNKS, _CHUNK), jnp.int32),
            pltpu.VMEM((_NBUF, _CHUNK, _D), jnp.float32),
            pltpu.VMEM((_MAX_LEN, _D), jnp.float32),
        ] + [pltpu.SemaphoreType.DMA] * (2 * _NBUF),
        compiler_params=pltpu.CompilerParams(use_tc_tiling_on_sc=False),
    )(x3, token_table, pos_table)
    return out.reshape(_BATCH, _MAX_LEN, _D)

# --- scband reference (transcript-rebuilt; emitter-appended) ---
"""Pipeline reference for scband-token-and-position-embedding-63333587747043 (READ-ONLY COPY).

The authoritative reference and input builder live on the scoring server;
editing this copy changes nothing except your own understanding.
"""

import jax, jax.numpy as jnp
import numpy as np

VOCAB_SIZE = 100000
MAX_LEN = 200
EMBED_DIM = 64
BATCH = 4096


def setup_inputs(seed: int = 0) -> dict:
    key = jax.random.key(seed)
    k_x, k_tok, k_pos = jax.random.split(key, 3)
    x = jax.random.randint(k_x, (BATCH, MAX_LEN), 0, VOCAB_SIZE, dtype=jnp.int64 if jax.config.jax_enable_x64 else jnp.int32)
    token_table = jax.random.normal(k_tok, (VOCAB_SIZE, EMBED_DIM), dtype=jnp.float32)
    # padding_idx=0: row 0 is zeros (matches nn.Embedding padding_idx semantics)
    token_table = token_table.at[0].set(0.0)
    pos_table = jax.random.normal(k_pos, (MAX_LEN, EMBED_DIM), dtype=jnp.float32)
    return {"x": x, "token_table": token_table, "pos_table": pos_table}


def reference(x, token_table, pos_table):
    max_len = x.shape[-1]
    positions = jnp.arange(0, max_len, dtype=jnp.int32)
    pos_embedded = jnp.take(pos_table, positions, axis=0)            # [max_len, D]
    tok_embedded = jnp.take(token_table, x, axis=0)                  # [B, max_len, D]
    return tok_embedded + pos_embedded

if __name__ == "__main__":
    import jax
    _d = setup_inputs()
    print(jax.jit(kernel)(*tuple(_d.values())))

</pallas_src>

<mosaic_0001>
#map = affine_map<(d0, d1) -> (0, 0, 0)>
#map1 = affine_map<(d0, d1) -> (0, 0)>
module attributes {stable_mosaic.version = 14 : i64} {
  func.func @_body(%arg0: i32, %arg1: i32, %arg2: memref<32x256x100xi32, #tpu.memory_space<hbm>>, %arg3: memref<100000x64xf32, #tpu.memory_space<hbm>>, %arg4: memref<200x64xf32, #tpu.memory_space<hbm>>, %arg5: memref<8192x100x64xf32, #tpu.memory_space<hbm>>, %arg6: memref<256x100xi32, #tpu.memory_space<vmem>>, %arg7: memref<4x100x64xf32, #tpu.memory_space<vmem>>, %arg8: memref<200x64xf32, #tpu.memory_space<vmem>>, %arg9: memref<!tpu.dma_semaphore, #tpu.memory_space<semaphore_mem>>, %arg10: memref<!tpu.dma_semaphore, #tpu.memory_space<semaphore_mem>>, %arg11: memref<!tpu.dma_semaphore, #tpu.memory_space<semaphore_mem>>, %arg12: memref<!tpu.dma_semaphore, #tpu.memory_space<semaphore_mem>>, %arg13: memref<!tpu.dma_semaphore, #tpu.memory_space<semaphore_mem>>, %arg14: memref<!tpu.dma_semaphore, #tpu.memory_space<semaphore_mem>>, %arg15: memref<!tpu.dma_semaphore, #tpu.memory_space<semaphore_mem>>, %arg16: memref<!tpu.dma_semaphore, #tpu.memory_space<semaphore_mem>>) attributes {dimension_semantics = [#tpu.dimension_semantics<core_parallel>, #tpu.dimension_semantics<subcore_parallel>], iteration_bounds = array<i64: 2, 16>, scalar_prefetch = 0 : i64, scratch_operands = 11 : i64, tpu.core_type = #tpu.core_type<sc_vector_subcore>, window_params = [{transform_indices = #map}, {transform_indices = #map1}, {transform_indices = #map1}, {transform_indices = #map}]} {
    %mul3A = arith.constant 16 : i32
    %mul3A_0 = arith.muli %arg0, %mul3A : i32
    %add3A = arith.addi %mul3A_0, %arg1 : i32
    %mul3A_1 = arith.constant 256 : i32
    %mul3A_2 = arith.muli %add3A, %mul3A_1 : i32
    "tpu.region"() ({
      %run_scoped3A = tpu.sem_alloc : memref<!tpu.dma_semaphore, #tpu.memory_space<semaphore_mem>>
      %dma_start3A_67 = arith.constant 0 : i32
      %dma_start3A_68 = arith.constant 0 : i32
      %dma_start3A_69 = tpu.memref_slice %arg2[%add3A, %dma_start3A_67, %dma_start3A_68] : memref<32x256x100xi32, #tpu.memory_space<hbm>> -> memref<1x256x100xi32, #tpu.memory_space<hbm>>
      %dma_start3A_70 = tpu.memref_squeeze %dma_start3A_69 : memref<1x256x100xi32, #tpu.memory_space<hbm>> -> memref<256x100xi32, #tpu.memory_space<hbm>>
      %dma_start3A_71 = arith.constant 0 : i32
      %dma_start3A_72 = arith.constant 0 : i32
      %dma_start3A_73 = tpu.memref_slice %arg2[%add3A, %dma_start3A_71, %dma_start3A_72] : memref<32x256x100xi32, #tpu.memory_space<hbm>> -> memref<1x256x100xi32, #tpu.memory_space<hbm>>
      %dma_start3A_74 = tpu.memref_squeeze %dma_start3A_73 : memref<1x256x100xi32, #tpu.memory_space<hbm>> -> memref<256x100xi32, #tpu.memory_space<hbm>>
      tpu.enqueue_dma source(%dma_start3A_74 : memref<256x100xi32, #tpu.memory_space<hbm>>) target(%arg6 : memref<256x100xi32, #tpu.memory_space<vmem>>) target_semaphore(%run_scoped3A : memref<!tpu.dma_semaphore, #tpu.memory_space<semaphore_mem>>)
      %dma_wait3A_75 = arith.constant 0 : i32
      %dma_wait3A_76 = arith.constant 0 : i32
      %dma_wait3A_77 = tpu.memref_slice %arg2[%add3A, %dma_wait3A_75, %dma_wait3A_76] : memref<32x256x100xi32, #tpu.memory_space<hbm>> -> memref<1x256x100xi32, #tpu.memory_space<hbm>>
      %dma_wait3A_78 = tpu.memref_squeeze %dma_wait3A_77 : memref<1x256x100xi32, #tpu.memory_space<hbm>> -> memref<256x100xi32, #tpu.memory_space<hbm>>
      %dma_wait3A_79 = arith.constant 0 : i32
      %dma_wait3A_80 = arith.constant 0 : i32
      %dma_wait3A_81 = tpu.memref_slice %arg2[%add3A, %dma_wait3A_79, %dma_wait3A_80] : memref<32x256x100xi32, #tpu.memory_space<hbm>> -> memref<1x256x100xi32, #tpu.memory_space<hbm>>
      %dma_wait3A_82 = tpu.memref_squeeze %dma_wait3A_81 : memref<1x256x100xi32, #tpu.memory_space<hbm>> -> memref<256x100xi32, #tpu.memory_space<hbm>>
      tpu.wait_dma2 semaphore(%run_scoped3A : memref<!tpu.dma_semaphore, #tpu.memory_space<semaphore_mem>>) src(%dma_wait3A_82 : memref<256x100xi32, #tpu.memory_space<hbm>>) dst(%arg6 : memref<256x100xi32, #tpu.memory_space<vmem>>)
      tpu.yield
    }) : () -> ()
    "tpu.region"() ({
      %run_scoped3A = tpu.sem_alloc : memref<!tpu.dma_semaphore, #tpu.memory_space<semaphore_mem>>
      tpu.enqueue_dma source(%arg4 : memref<200x64xf32, #tpu.memory_space<hbm>>) target(%arg8 : memref<200x64xf32, #tpu.memory_space<vmem>>) target_semaphore(%run_scoped3A : memref<!tpu.dma_semaphore, #tpu.memory_space<semaphore_mem>>)
      tpu.wait_dma2 semaphore(%run_scoped3A : memref<!tpu.dma_semaphore, #tpu.memory_space<semaphore_mem>>) src(%arg4 : memref<200x64xf32, #tpu.memory_space<hbm>>) dst(%arg8 : memref<200x64xf32, #tpu.memory_space<vmem>>)
      tpu.yield
    }) : () -> ()
    %dma_start3A = arith.constant 0 : i32
    %dma_start3A_3 = arith.constant 0 : i32
    %dma_start3A_4 = arith.constant 0 : i32
    %dma_start3A_5 = arith.constant 0 : i32
    %dma_start3A_6 = tpu.memref_slice %arg7[%dma_start3A_3, %dma_start3A_4, %dma_start3A_5] : memref<4x100x64xf32, #tpu.memory_space<vmem>> -> memref<1x100x64xf32, #tpu.memory_space<vmem>>
    %dma_start3A_7 = tpu.memref_squeeze %dma_start3A_6 : memref<1x100x64xf32, #tpu.memory_space<vmem>> -> memref<100x64xf32, #tpu.memory_space<vmem>>
    %dma_start3A_8 = arith.constant 0 : i32
    %dma_start3A_9 = tpu.memref_slice %arg6[%dma_start3A, %dma_start3A_8] : memref<256x100xi32, #tpu.memory_space<vmem>> -> memref<1x100xi32, #tpu.memory_space<vmem>>
    %dma_start3A_10 = tpu.memref_squeeze %dma_start3A_9 : memref<1x100xi32, #tpu.memory_space<vmem>> -> memref<100xi32, #tpu.memory_space<vmem>>
    %dma_start3A_11 = arith.constant 0 : i32
    %dma_start3A_12 = arith.constant 0 : i32
    %dma_start3A_13 = tpu.memref_slice %arg3[%dma_start3A_11, %dma_start3A_12] : memref<100000x64xf32, #tpu.memory_space<hbm>> -> memref<100000x64xf32, #tpu.memory_space<hbm>>
    tpu.enqueue_indirect_dma source(%dma_start3A_13 : memref<100000x64xf32, #tpu.memory_space<hbm>>) target(%dma_start3A_7 : memref<100x64xf32, #tpu.memory_space<vmem>>) offsets(%dma_start3A_10 : memref<100xi32, #tpu.memory_space<vmem>>) semaphore(%arg9 : memref<!tpu.dma_semaphore, #tpu.memory_space<semaphore_mem>>)
    %dma_start3A_14 = arith.constant 1 : i32
    %dma_start3A_15 = arith.constant 1 : i32
    %dma_start3A_16 = arith.constant 0 : i32
    %dma_start3A_17 = arith.constant 0 : i32
    %dma_start3A_18 = tpu.memref_slice %arg7[%dma_start3A_15, %dma_start3A_16, %dma_start3A_17] : memref<4x100x64xf32, #tpu.memory_space<vmem>> -> memref<1x100x64xf32, #tpu.memory_space<vmem>>
    %dma_start3A_19 = tpu.memref_squeeze %dma_start3A_18 : memref<1x100x64xf32, #tpu.memory_space<vmem>> -> memref<100x64xf32, #tpu.memory_space<vmem>>
    %dma_start3A_20 = arith.constant 0 : i32
    %dma_start3A_21 = tpu.memref_slice %arg6[%dma_start3A_14, %dma_start3A_20] : memref<256x100xi32, #tpu.memory_space<vmem>> -> memref<1x100xi32, #tpu.memory_space<vmem>>
    %dma_start3A_22 = tpu.memref_squeeze %dma_start3A_21 : memref<1x100xi32, #tpu.memory_space<vmem>> -> memref<100xi32, #tpu.memory_space<vmem>>
    %dma_start3A_23 = arith.constant 0 : i32
    %dma_start3A_24 = arith.constant 0 : i32
    %dma_start3A_25 = tpu.memref_slice %arg3[%dma_start3A_23, %dma_start3A_24] : memref<100000x64xf32, #tpu.memory_space<hbm>> -> memref<100000x64xf32, #tpu.memory_space<hbm>>
    tpu.enqueue_indirect_dma source(%dma_start3A_25 : memref<100000x64xf32, #tpu.memory_space<hbm>>) target(%dma_start3A_19 : memref<100x64xf32, #tpu.memory_space<vmem>>) offsets(%dma_start3A_22 : memref<100xi32, #tpu.memory_space<vmem>>) semaphore(%arg10 : memref<!tpu.dma_semaphore, #tpu.memory_space<semaphore_mem>>)
    %scan3A = arith.constant 0 : i32
    %scan3A_26 = arith.constant 0 : i32
    %scan3A_27 = arith.constant 64 : i32
    %scan3A_28 = arith.addi %scan3A_26, %scan3A_27 : i32
    %scan3A_29 = arith.constant 1 : i32
    %scan3A_30 = scf.for %scan3A_67 = %scan3A_26 to %scan3A_28 step %scan3A_29 iter_args(%scan3A_68 = %scan3A) -> (i32)  : i32 {
      %mul3A_69 = arith.constant 4 : i32
      %mul3A_70 = arith.muli %scan3A_67, %mul3A_69 : i32
      %add3A_71 = arith.constant 0 : i32
      %add3A_72 = arith.addi %mul3A_70, %add3A_71 : i32
      %ge3A = arith.constant 2 : i32
      %ge3A_73 = arith.cmpi sge, %add3A_72, %ge3A : i32
      %convert_element_type3A = arith.extui %ge3A_73 : i1 to i32
      %cond3A = arith.constant 0 : i32
      %cond3A_74 = arith.cmpi ne, %convert_element_type3A, %cond3A : i32
      scf.if %cond3A_74 {
        %dma_wait3A_257 = arith.constant 2 : i32
        %dma_wait3A_258 = arith.constant 0 : i32
        %dma_wait3A_259 = arith.constant 0 : i32
        %dma_wait3A_260 = arith.constant 0 : i32
        %dma_wait3A_261 = tpu.memref_slice %arg7[%dma_wait3A_257, %dma_wait3A_259, %dma_wait3A_260] : memref<4x100x64xf32, #tpu.memory_space<vmem>> -> memref<1x100x64xf32, #tpu.memory_space<vmem>>
        %dma_wait3A_262 = tpu.memref_squeeze %dma_wait3A_261 : memref<1x100x64xf32, #tpu.memory_space<vmem>> -> memref<100x64xf32, #tpu.memory_space<vmem>>
        %dma_wait3A_263 = arith.constant 0 : i32
        %dma_wait3A_264 = arith.constant 0 : i32
        %dma_wait3A_265 = tpu.memref_slice %arg5[%dma_wait3A_258, %dma_wait3A_263, %dma_wait3A_264] : memref<8192x100x64xf32, #tpu.memory_space<hbm>> -> memref<1x100x64xf32, #tpu.memory_space<hbm>>
        %dma_wait3A_266 = tpu.memref_squeeze %dma_wait3A_265 : memref<1x100x64xf32, #tpu.memory_space<hbm>> -> memref<100x64xf32, #tpu.memory_space<hbm>>
        %dma_wait3A_267 = arith.constant 0 : i32
        %dma_wait3A_268 = arith.constant 0 : i32
        %dma_wait3A_269 = tpu.memref_slice %arg5[%dma_wait3A_258, %dma_wait3A_267, %dma_wait3A_268] : memref<8192x100x64xf32, #tpu.memory_space<hbm>> -> memref<1x100x64xf32, #tpu.memory_space<hbm>>
        %dma_wait3A_270 = tpu.memref_squeeze %dma_wait3A_269 : memref<1x100x64xf32, #tpu.memory_space<hbm>> -> memref<100x64xf32, #tpu.memory_space<hbm>>
        %dma_wait3A_271 = arith.constant 0 : i32
        %dma_wait3A_272 = arith.constant 0 : i32
        %dma_wait3A_273 = tpu.memref_slice %arg7[%dma_wait3A_257, %dma_wait3A_271, %dma_wait3A_272] : memref<4x100x64xf32, #tpu.memory_space<vmem>> -> memref<1x100x64xf32, #tpu.memory_space<vmem>>
        %dma_wait3A_274 = tpu.memref_squeeze %dma_wait3A_273 : memref<1x100x64xf32, #tpu.memory_space<vmem>> -> memref<100x64xf32, #tpu.memory_space<vmem>>
        tpu.wait_dma2 semaphore(%arg15 : memref<!tpu.dma_semaphore, #tpu.memory_space<semaphore_mem>>) src(%dma_wait3A_274 : memref<100x64xf32, #tpu.memory_space<vmem>>) dst(%dma_wait3A_270 : memref<100x64xf32, #tpu.memory_space<hbm>>)
      } else {
      }
      %add3A_75 = arith.constant 2 : i32
      %add3A_76 = arith.addi %add3A_72, %add3A_75 : i32
      %lt3A = arith.constant 256 : i32
      %lt3A_77 = arith.cmpi slt, %add3A_76, %lt3A : i32
      %convert_element_type3A_78 = arith.extui %lt3A_77 : i1 to i32
      %cond3A_79 = arith.constant 0 : i32
      %cond3A_80 = arith.cmpi ne, %convert_element_type3A_78, %cond3A_79 : i32
      scf.if %cond3A_80 {
        %add3A_257 = arith.constant 2 : i32
        %add3A_258 = arith.addi %add3A_72, %add3A_257 : i32
        %dma_start3A_259 = arith.constant 2 : i32
        %dma_start3A_260 = arith.constant 0 : i32
        %dma_start3A_261 = arith.constant 0 : i32
        %dma_start3A_262 = tpu.memref_slice %arg7[%dma_start3A_259, %dma_start3A_260, %dma_start3A_261] : memref<4x100x64xf32, #tpu.memory_space<vmem>> -> memref<1x100x64xf32, #tpu.memory_space<vmem>>
        %dma_start3A_263 = tpu.memref_squeeze %dma_start3A_262 : memref<1x100x64xf32, #tpu.memory_space<vmem>> -> memref<100x64xf32, #tpu.memory_space<vmem>>
        %dma_start3A_264 = arith.constant 0 : i32
        %dma_start3A_265 = tpu.memref_slice %arg6[%add3A_258, %dma_start3A_264] : memref<256x100xi32, #tpu.memory_space<vmem>> -> memref<1x100xi32, #tpu.memory_space<vmem>>
        %dma_start3A_266 = tpu.memref_squeeze %dma_start3A_265 : memref<1x100xi32, #tpu.memory_space<vmem>> -> memref<100xi32, #tpu.memory_space<vmem>>
        %dma_start3A_267 = arith.constant 0 : i32
        %dma_start3A_268 = arith.constant 0 : i32
        %dma_start3A_269 = tpu.memref_slice %arg3[%dma_start3A_267, %dma_start3A_268] : memref<100000x64xf32, #tpu.memory_space<hbm>> -> memref<100000x64xf32, #tpu.memory_space<hbm>>
        tpu.enqueue_indirect_dma source(%dma_start3A_269 : memref<100000x64xf32, #tpu.memory_space<hbm>>) target(%dma_start3A_263 : memref<100x64xf32, #tpu.memory_space<vmem>>) offsets(%dma_start3A_266 : memref<100xi32, #tpu.memory_space<vmem>>) semaphore(%arg11 : memref<!tpu.dma_semaphore, #tpu.memory_space<semaphore_mem>>)
      } else {
      }
      %dma_wait3A_81 = arith.constant 0 : i32
      %dma_wait3A_82 = arith.constant 0 : i32
      %dma_wait3A_83 = arith.constant 0 : i32
      %dma_wait3A_84 = tpu.memref_slice %arg7[%dma_wait3A_81, %dma_wait3A_82, %dma_wait3A_83] : memref<4x100x64xf32, #tpu.memory_space<vmem>> -> memref<1x100x64xf32, #tpu.memory_space<vmem>>
      %dma_wait3A_85 = tpu.memref_squeeze %dma_wait3A_84 : memref<1x100x64xf32, #tpu.memory_space<vmem>> -> memref<100x64xf32, #tpu.memory_space<vmem>>
      %dma_wait3A_86 = arith.constant 0 : i32
      %dma_wait3A_87 = tpu.memref_slice %arg6[%add3A_72, %dma_wait3A_86] : memref<256x100xi32, #tpu.memory_space<vmem>> -> memref<1x100xi32, #tpu.memory_space<vmem>>
      %dma_wait3A_88 = tpu.memref_squeeze %dma_wait3A_87 : memref<1x100xi32, #tpu.memory_space<vmem>> -> memref<100xi32, #tpu.memory_space<vmem>>
      %dma_wait3A_89 = arith.constant 0 : i32
      %dma_wait3A_90 = arith.constant 0 : i32
      %dma_wait3A_91 = tpu.memref_slice %arg3[%dma_wait3A_89, %dma_wait3A_90] : memref<100000x64xf32, #tpu.memory_space<hbm>> -> memref<100000x64xf32, #tpu.memory_space<hbm>>
      tpu.wait_indirect_dma semaphore(%arg9 : memref<!tpu.dma_semaphore, #tpu.memory_space<semaphore_mem>>) src(%dma_wait3A_91 : memref<100000x64xf32, #tpu.memory_space<hbm>>) dst(%dma_wait3A_85 : memref<100x64xf32, #tpu.memory_space<vmem>>)
      %parallel_loop3A = arith.constant 0 : i32
      %parallel_loop3A_92 = arith.constant 100 : i32
      %parallel_loop3A_93 = arith.constant 1 : i32
      scf.for %parallel_loop3A_257 = %parallel_loop3A to %parallel_loop3A_92 step %parallel_loop3A_93  : i32 {
        %parallel_loop3A_258 = arith.constant 0 : i32
        %parallel_loop3A_259 = arith.index_cast %parallel_loop3A_258 : i32 to index
        %parallel_loop3A_260 = arith.index_cast %parallel_loop3A_257 : i32 to index
        %parallel_loop3A_261 = arith.constant 0 : index
        %parallel_loop3A_262 = tpu.vector_load %arg7[%parallel_loop3A_259, %parallel_loop3A_260, %parallel_loop3A_261] {strides = array<i32>} : memref<4x100x64xf32, #tpu.memory_space<vmem>>, vector<1x1x16xf32>,
        %parallel_loop3A_263 = vector.shape_cast %parallel_loop3A_262 : vector<1x1x16xf32> to vector<16xf32>
        %parallel_loop3A_264 = arith.constant 0 : i32
        %parallel_loop3A_265 = arith.addi %parallel_loop3A_264, %parallel_loop3A_257 : i32
        %parallel_loop3A_266 = arith.index_cast %parallel_loop3A_265 : i32 to index
        %parallel_loop3A_267 = arith.constant 0 : index
        %parallel_loop3A_268 = tpu.vector_load %arg8[%parallel_loop3A_266, %parallel_loop3A_267] {strides = array<i32>} : memref<200x64xf32, #tpu.memory_space<vmem>>, vector<1x16xf32>,
        %parallel_loop3A_269 = vector.shape_cast %parallel_loop3A_268 : vector<1x16xf32> to vector<16xf32>
        %parallel_loop3A_270 = arith.addf %parallel_loop3A_263, %parallel_loop3A_269 : vector<16xf32>
        %parallel_loop3A_271 = arith.constant 0 : i32
        %parallel_loop3A_272 = arith.index_cast %parallel_loop3A_271 : i32 to index
        %parallel_loop3A_273 = arith.index_cast %parallel_loop3A_257 : i32 to index
        %parallel_loop3A_274 = arith.constant 0 : index
        %parallel_loop3A_275 = tpu.vector_load %arg7[%parallel_loop3A_272, %parallel_loop3A_273, %parallel_loop3A_274] {strides = array<i32>} : memref<4x100x64xf32, #tpu.memory_space<vmem>>, vector<1x1x16xf32>,
        %parallel_loop3A_276 = vector.shape_cast %parallel_loop3A_275 : vector<1x1x16xf32> to vector<16xf32>
        %parallel_loop3A_277 = vector.shape_cast %parallel_loop3A_270 : vector<16xf32> to vector<1x1x16xf32>
        tpu.vector_store %arg7[%parallel_loop3A_272, %parallel_loop3A_273, %parallel_loop3A_274], %parallel_loop3A_277 {strides = array<i32>} : memref<4x100x64xf32, #tpu.memory_space<vmem>>, vector<1x1x16xf32>,
        %parallel_loop3A_278 = arith.constant 0 : i32
        %parallel_loop3A_279 = arith.index_cast %parallel_loop3A_278 : i32 to index
        %parallel_loop3A_280 = arith.index_cast %parallel_loop3A_257 : i32 to index
        %parallel_loop3A_281 = arith.constant 16 : index
        %parallel_loop3A_282 = tpu.vector_load %arg7[%parallel_loop3A_279, %parallel_loop3A_280, %parallel_loop3A_281] {strides = array<i32>} : memref<4x100x64xf32, #tpu.memory_space<vmem>>, vector<1x1x16xf32>,
        %parallel_loop3A_283 = vector.shape_cast %parallel_loop3A_282 : vector<1x1x16xf32> to vector<16xf32>
        %parallel_loop3A_284 = arith.constant 0 : i32
        %parallel_loop3A_285 = arith.addi %parallel_loop3A_284, %parallel_loop3A_257 : i32
        %parallel_loop3A_286 = arith.index_cast %parallel_loop3A_285 : i32 to index
        %parallel_loop3A_287 = arith.constant 16 : index
        %parallel_loop3A_288 = tpu.vector_load %arg8[%parallel_loop3A_286, %parallel_loop3A_287] {strides = array<i32>} : memref<200x64xf32, #tpu.memory_space<vmem>>, vector<1x16xf32>,
        %parallel_loop3A_289 = vector.shape_cast %parallel_loop3A_288 : vector<1x16xf32> to vector<16xf32>
        %parallel_loop3A_290 = arith.addf %parallel_loop3A_283, %parallel_loop3A_289 : vector<16xf32>
        %parallel_loop3A_291 = arith.constant 0 : i32
        %parallel_loop3A_292 = arith.index_cast %parallel_loop3A_291 : i32 to index
        %parallel_loop3A_293 = arith.index_cast %parallel_loop3A_257 : i32 to index
        %parallel_loop3A_294 = arith.constant 16 : index
        %parallel_loop3A_295 = tpu.vector_load %arg7[%parallel_loop3A_292, %parallel_loop3A_293, %parallel_loop3A_294] {strides = array<i32>} : memref<4x100x64xf32, #tpu.memory_space<vmem>>, vector<1x1x16xf32>,
        %parallel_loop3A_296 = vector.shape_cast %parallel_loop3A_295 : vector<1x1x16xf32> to vector<16xf32>
        %parallel_loop3A_297 = vector.shape_cast %parallel_loop3A_290 : vector<16xf32> to vector<1x1x16xf32>
        tpu.vector_store %arg7[%parallel_loop3A_292, %parallel_loop3A_293, %parallel_loop3A_294], %parallel_loop3A_297 {strides = array<i32>} : memref<4x100x64xf32, #tpu.memory_space<vmem>>, vector<1x1x16xf32>,
        %parallel_loop3A_298 = arith.constant 0 : i32
        %parallel_loop3A_299 = arith.index_cast %parallel_loop3A_298 : i32 to index
        %parallel_loop3A_300 = arith.index_cast %parallel_loop3A_257 : i32 to index
        %parallel_loop3A_301 = arith.constant 32 : index
        %parallel_loop3A_302 = tpu.vector_load %arg7[%parallel_loop3A_299, %parallel_loop3A_300, %parallel_loop3A_301] {strides = array<i32>} : memref<4x100x64xf32, #tpu.memory_space<vmem>>, vector<1x1x16xf32>,
        %parallel_loop3A_303 = vector.shape_cast %parallel_loop3A_302 : vector<1x1x16xf32> to vector<16xf32>
        %parallel_loop3A_304 = arith.constant 0 : i32
        %parallel_loop3A_305 = arith.addi %parallel_loop3A_304, %parallel_loop3A_257 : i32
        %parallel_loop3A_306 = arith.index_cast %parallel_loop3A_305 : i32 to index
        %parallel_loop3A_307 = arith.constant 32 : index
        %parallel_loop3A_308 = tpu.vector_load %arg8[%parallel_loop3A_306, %parallel_loop3A_307] {strides = array<i32>} : memref<200x64xf32, #tpu.memory_space<vmem>>, vector<1x16xf32>,
        %parallel_loop3A_309 = vector.shape_cast %parallel_loop3A_308 : vector<1x16xf32> to vector<16xf32>
        %parallel_loop3A_310 = arith.addf %parallel_loop3A_303, %parallel_loop3A_309 : vector<16xf32>
        %parallel_loop3A_311 = arith.constant 0 : i32
        %parallel_loop3A_312 = arith.index_cast %parallel_loop3A_311 : i32 to index
        %parallel_loop3A_313 = arith.index_cast %parallel_loop3A_257 : i32 to index
        %parallel_loop3A_314 = arith.constant 32 : index
        %parallel_loop3A_315 = tpu.vector_load %arg7[%parallel_loop3A_312, %parallel_loop3A_313, %parallel_loop3A_314] {strides = array<i32>} : memref<4x100x64xf32, #tpu.memory_space<vmem>>, vector<1x1x16xf32>,
        %parallel_loop3A_316 = vector.shape_cast %parallel_loop3A_315 : vector<1x1x16xf32> to vector<16xf32>
        %parallel_loop3A_317 = vector.shape_cast %parallel_loop3A_310 : vector<16xf32> to vector<1x1x16xf32>
        tpu.vector_store %arg7[%parallel_loop3A_312, %parallel_loop3A_313, %parallel_loop3A_314], %parallel_loop3A_317 {strides = array<i32>} : memref<4x100x64xf32, #tpu.memory_space<vmem>>, vector<1x1x16xf32>,
        %parallel_loop3A_318 = arith.constant 0 : i32
        %parallel_loop3A_319 = arith.index_cast %parallel_loop3A_318 : i32 to index
        %parallel_loop3A_320 = arith.index_cast %parallel_loop3A_257 : i32 to index
        %parallel_loop3A_321 = arith.constant 48 : index
        %parallel_loop3A_322 = tpu.vector_load %arg7[%parallel_loop3A_319, %parallel_loop3A_320, %parallel_loop3A_321] {strides = array<i32>} : memref<4x100x64xf32, #tpu.memory_space<vmem>>, vector<1x1x16xf32>,
        %parallel_loop3A_323 = vector.shape_cast %parallel_loop3A_322 : vector<1x1x16xf32> to vector<16xf32>
        %parallel_loop3A_324 = arith.constant 0 : i32
        %parallel_loop3A_325 = arith.addi %parallel_loop3A_324, %parallel_loop3A_257 : i32
        %parallel_loop3A_326 = arith.index_cast %parallel_loop3A_325 : i32 to index
        %parallel_loop3A_327 = arith.constant 48 : index
        %parallel_loop3A_328 = tpu.vector_load %arg8[%parallel_loop3A_326, %parallel_loop3A_327] {strides = array<i32>} : memref<200x64xf32, #tpu.memory_space<vmem>>, vector<1x16xf32>,
        %parallel_loop3A_329 = vector.shape_cast %parallel_loop3A_328 : vector<1x16xf32> to vector<16xf32>
        %parallel_loop3A_330 = arith.addf %parallel_loop3A_323, %parallel_loop3A_329 : vector<16xf32>
        %parallel_loop3A_331 = arith.constant 0 : i32
        %parallel_loop3A_332 = arith.index_cast %parallel_loop3A_331 : i32 to index
        %parallel_loop3A_333 = arith.index_cast %parallel_loop3A_257 : i32 to index
        %parallel_loop3A_334 = arith.constant 48 : index
        %parallel_loop3A_335 = tpu.vector_load %arg7[%parallel_loop3A_332, %parallel_loop3A_333, %parallel_loop3A_334] {strides = array<i32>} : memref<4x100x64xf32, #tpu.memory_space<vmem>>, vector<1x1x16xf32>,
        %parallel_loop3A_336 = vector.shape_cast %parallel_loop3A_335 : vector<1x1x16xf32> to vector<16xf32>
        %parallel_loop3A_337 = vector.shape_cast %parallel_loop3A_330 : vector<16xf32> to vector<1x1x16xf32>
        tpu.vector_store %arg7[%parallel_loop3A_332, %parallel_loop3A_333, %parallel_loop3A_334], %parallel_loop3A_337 {strides = array<i32>} : memref<4x100x64xf32, #tpu.memory_space<vmem>>, vector<1x1x16xf32>,
      } {sc.loop_unroll_factor = 8 : i64, sc.parallel_access}
      %add3A_94 = arith.addi %mul3A_2, %add3A_72 : i32
      %dma_start3A_95 = arith.constant 0 : i32
      %dma_start3A_96 = arith.constant 0 : i32
      %dma_start3A_97 = arith.constant 0 : i32
      %dma_start3A_98 = tpu.memref_slice %arg7[%dma_start3A_95, %dma_start3A_96, %dma_start3A_97] : memref<4x100x64xf32, #tpu.memory_space<vmem>> -> memref<1x100x64xf32, #tpu.memory_space<vmem>>
      %dma_start3A_99 = tpu.memref_squeeze %dma_start3A_98 : memref<1x100x64xf32, #tpu.memory_space<vmem>> -> memref<100x64xf32, #tpu.memory_space<vmem>>
      %dma_start3A_100 = arith.constant 0 : i32
      %dma_start3A_101 = arith.constant 0 : i32
      %dma_start3A_102 = tpu.memref_slice %arg5[%add3A_94, %dma_start3A_100, %dma_start3A_101] : memref<8192x100x64xf32, #tpu.memory_space<hbm>> -> memref<1x100x64xf32, #tpu.memory_space<hbm>>
      %dma_start3A_103 = tpu.memref_squeeze %dma_start3A_102 : memref<1x100x64xf32, #tpu.memory_space<hbm>> -> memref<100x64xf32, #tpu.memory_space<hbm>>
      %dma_start3A_104 = arith.constant 0 : i32
      %dma_start3A_105 = arith.constant 0 : i32
      %dma_start3A_106 = tpu.memref_slice %arg5[%add3A_94, %dma_start3A_104, %dma_start3A_105] : memref<8192x100x64xf32, #tpu.memory_space<hbm>> -> memref<1x100x64xf32, #tpu.memory_space<hbm>>
      %dma_start3A_107 = tpu.memref_squeeze %dma_start3A_106 : memref<1x100x64xf32, #tpu.memory_space<hbm>> -> memref<100x64xf32, #tpu.memory_space<hbm>>
      %dma_start3A_108 = arith.constant 0 : i32
      %dma_start3A_109 = arith.constant 0 : i32
      %dma_start3A_110 = tpu.memref_slice %arg7[%dma_start3A_95, %dma_start3A_108, %dma_start3A_109] : memref<4x100x64xf32, #tpu.memory_space<vmem>> -> memref<1x100x64xf32, #tpu.memory_space<vmem>>
      %dma_start3A_111 = tpu.memref_squeeze %dma_start3A_110 : memref<1x100x64xf32, #tpu.memory_space<vmem>> -> memref<100x64xf32, #tpu.memory_space<vmem>>
      tpu.enqueue_dma source(%dma_start3A_111 : memref<100x64xf32, #tpu.memory_space<vmem>>) target(%dma_start3A_107 : memref<100x64xf32, #tpu.memory_space<hbm>>) target_semaphore(%arg13 : memref<!tpu.dma_semaphore, #tpu.memory_space<semaphore_mem>>)
      %mul3A_112 = arith.constant 4 : i32
      %mul3A_113 = arith.muli %scan3A_67, %mul3A_112 : i32
      %add3A_114 = arith.constant 1 : i32
      %add3A_115 = arith.addi %mul3A_113, %add3A_114 : i32
      %ge3A_116 = arith.constant 2 : i32
      %ge3A_117 = arith.cmpi sge, %add3A_115, %ge3A_116 : i32
      %convert_element_type3A_118 = arith.extui %ge3A_117 : i1 to i32
      %cond3A_119 = arith.constant 0 : i32
      %cond3A_120 = arith.cmpi ne, %convert_element_type3A_118, %cond3A_119 : i32
      scf.if %cond3A_120 {
        %dma_wait3A_257 = arith.constant 3 : i32
        %dma_wait3A_258 = arith.constant 0 : i32
        %dma_wait3A_259 = arith.constant 0 : i32
        %dma_wait3A_260 = arith.constant 0 : i32
        %dma_wait3A_261 = tpu.memref_slice %arg7[%dma_wait3A_257, %dma_wait3A_259, %dma_wait3A_260] : memref<4x100x64xf32, #tpu.memory_space<vmem>> -> memref<1x100x64xf32, #tpu.memory_space<vmem>>
        %dma_wait3A_262 = tpu.memref_squeeze %dma_wait3A_261 : memref<1x100x64xf32, #tpu.memory_space<vmem>> -> memref<100x64xf32, #tpu.memory_space<vmem>>
        %dma_wait3A_263 = arith.constant 0 : i32
        %dma_wait3A_264 = arith.constant 0 : i32
        %dma_wait3A_265 = tpu.memref_slice %arg5[%dma_wait3A_258, %dma_wait3A_263, %dma_wait3A_264] : memref<8192x100x64xf32, #tpu.memory_space<hbm>> -> memref<1x100x64xf32, #tpu.memory_space<hbm>>
        %dma_wait3A_266 = tpu.memref_squeeze %dma_wait3A_265 : memref<1x100x64xf32, #tpu.memory_space<hbm>> -> memref<100x64xf32, #tpu.memory_space<hbm>>
        %dma_wait3A_267 = arith.constant 0 : i32
        %dma_wait3A_268 = arith.constant 0 : i32
        %dma_wait3A_269 = tpu.memref_slice %arg5[%dma_wait3A_258, %dma_wait3A_267, %dma_wait3A_268] : memref<8192x100x64xf32, #tpu.memory_space<hbm>> -> memref<1x100x64xf32, #tpu.memory_space<hbm>>
        %dma_wait3A_270 = tpu.memref_squeeze %dma_wait3A_269 : memref<1x100x64xf32, #tpu.memory_space<hbm>> -> memref<100x64xf32, #tpu.memory_space<hbm>>
        %dma_wait3A_271 = arith.constant 0 : i32
        %dma_wait3A_272 = arith.constant 0 : i32
        %dma_wait3A_273 = tpu.memref_slice %arg7[%dma_wait3A_257, %dma_wait3A_271, %dma_wait3A_272] : memref<4x100x64xf32, #tpu.memory_space<vmem>> -> memref<1x100x64xf32, #tpu.memory_space<vmem>>
        %dma_wait3A_274 = tpu.memref_squeeze %dma_wait3A_273 : memref<1x100x64xf32, #tpu.memory_space<vmem>> -> memref<100x64xf32, #tpu.memory_space<vmem>>
        tpu.wait_dma2 semaphore(%arg16 : memref<!tpu.dma_semaphore, #tpu.memory_space<semaphore_mem>>) src(%dma_wait3A_274 : memref<100x64xf32, #tpu.memory_space<vmem>>) dst(%dma_wait3A_270 : memref<100x64xf32, #tpu.memory_space<hbm>>)
      } else {
      }
      %add3A_121 = arith.constant 2 : i32
      %add3A_122 = arith.addi %add3A_115, %add3A_121 : i32
      %lt3A_123 = arith.constant 256 : i32
      %lt3A_124 = arith.cmpi slt, %add3A_122, %lt3A_123 : i32
      %convert_element_type3A_125 = arith.extui %lt3A_124 : i1 to i32
      %cond3A_126 = arith.constant 0 : i32
      %cond3A_127 = arith.cmpi ne, %convert_element_type3A_125, %cond3A_126 : i32
      scf.if %cond3A_127 {
        %add3A_257 = arith.constant 2 : i32
        %add3A_258 = arith.addi %add3A_115, %add3A_257 : i32
        %dma_start3A_259 = arith.constant 3 : i32
        %dma_start3A_260 = arith.constant 0 : i32
        %dma_start3A_261 = arith.constant 0 : i32
        %dma_start3A_262 = tpu.memref_slice %arg7[%dma_start3A_259, %dma_start3A_260, %dma_start3A_261] : memref<4x100x64xf32, #tpu.memory_space<vmem>> -> memref<1x100x64xf32, #tpu.memory_space<vmem>>
        %dma_start3A_263 = tpu.memref_squeeze %dma_start3A_262 : memref<1x100x64xf32, #tpu.memory_space<vmem>> -> memref<100x64xf32, #tpu.memory_space<vmem>>
        %dma_start3A_264 = arith.constant 0 : i32
        %dma_start3A_265 = tpu.memref_slice %arg6[%add3A_258, %dma_start3A_264] : memref<256x100xi32, #tpu.memory_space<vmem>> -> memref<1x100xi32, #tpu.memory_space<vmem>>
        %dma_start3A_266 = tpu.memref_squeeze %dma_start3A_265 : memref<1x100xi32, #tpu.memory_space<vmem>> -> memref<100xi32, #tpu.memory_space<vmem>>
        %dma_start3A_267 = arith.constant 0 : i32
        %dma_start3A_268 = arith.constant 0 : i32
        %dma_start3A_269 = tpu.memref_slice %arg3[%dma_start3A_267, %dma_start3A_268] : memref<100000x64xf32, #tpu.memory_space<hbm>> -> memref<100000x64xf32, #tpu.memory_space<hbm>>
        tpu.enqueue_indirect_dma source(%dma_start3A_269 : memref<100000x64xf32, #tpu.memory_space<hbm>>) target(%dma_start3A_263 : memref<100x64xf32, #tpu.memory_space<vmem>>) offsets(%dma_start3A_266 : memref<100xi32, #tpu.memory_space<vmem>>) semaphore(%arg12 : memref<!tpu.dma_semaphore, #tpu.memory_space<semaphore_mem>>)
      } else {
      }
      %dma_wait3A_128 = arith.constant 1 : i32
      %dma_wait3A_129 = arith.constant 0 : i32
      %dma_wait3A_130 = arith.constant 0 : i32
      %dma_wait3A_131 = tpu.memref_slice %arg7[%dma_wait3A_128, %dma_wait3A_129, %dma_wait3A_130] : memref<4x100x64xf32, #tpu.memory_space<vmem>> -> memref<1x100x64xf32, #tpu.memory_space<vmem>>
      %dma_wait3A_132 = tpu.memref_squeeze %dma_wait3A_131 : memref<1x100x64xf32, #tpu.memory_space<vmem>> -> memref<100x64xf32, #tpu.memory_space<vmem>>
      %dma_wait3A_133 = arith.constant 0 : i32
      %dma_wait3A_134 = tpu.memref_slice %arg6[%add3A_115, %dma_wait3A_133] : memref<256x100xi32, #tpu.memory_space<vmem>> -> memref<1x100xi32, #tpu.memory_space<vmem>>
      %dma_wait3A_135 = tpu.memref_squeeze %dma_wait3A_134 : memref<1x100xi32, #tpu.memory_space<vmem>> -> memref<100xi32, #tpu.memory_space<vmem>>
      %dma_wait3A_136 = arith.constant 0 : i32
      %dma_wait3A_137 = arith.constant 0 : i32
      %dma_wait3A_138 = tpu.memref_slice %arg3[%dma_wait3A_136, %dma_wait3A_137] : memref<100000x64xf32, #tpu.memory_space<hbm>> -> memref<100000x64xf32, #tpu.memory_space<hbm>>
      tpu.wait_indirect_dma semaphore(%arg10 : memref<!tpu.dma_semaphore, #tpu.memory_space<semaphore_mem>>) src(%dma_wait3A_138 : memref<100000x64xf32, #tpu.memory_space<hbm>>) dst(%dma_wait3A_132 : memref<100x64xf32, #tpu.memory_space<vmem>>)
      %parallel_loop3A_139 = arith.constant 0 : i32
      %parallel_loop3A_140 = arith.constant 100 : i32
      %parallel_loop3A_141 = arith.constant 1 : i32
      scf.for %parallel_loop3A_257 = %parallel_loop3A_139 to %parallel_loop3A_140 step %parallel_loop3A_141  : i32 {
        %parallel_loop3A_258 = arith.constant 1 : i32
        %parallel_loop3A_259 = arith.index_cast %parallel_loop3A_258 : i32 to index
        %parallel_loop3A_260 = arith.index_cast %parallel_loop3A_257 : i32 to index
        %parallel_loop3A_261 = arith.constant 0 : index
        %parallel_loop3A_262 = tpu.vector_load %arg7[%parallel_loop3A_259, %parallel_loop3A_260, %parallel_loop3A_261] {strides = array<i32>} : memref<4x100x64xf32, #tpu.memory_space<vmem>>, vector<1x1x16xf32>,
        %parallel_loop3A_263 = vector.shape_cast %parallel_loop3A_262 : vector<1x1x16xf32> to vector<16xf32>
        %parallel_loop3A_264 = arith.constant 100 : i32
        %parallel_loop3A_265 = arith.addi %parallel_loop3A_264, %parallel_loop3A_257 : i32
        %parallel_loop3A_266 = arith.index_cast %parallel_loop3A_265 : i32 to index
        %parallel_loop3A_267 = arith.constant 0 : index
        %parallel_loop3A_268 = tpu.vector_load %arg8[%parallel_loop3A_266, %parallel_loop3A_267] {strides = array<i32>} : memref<200x64xf32, #tpu.memory_space<vmem>>, vector<1x16xf32>,
        %parallel_loop3A_269 = vector.shape_cast %parallel_loop3A_268 : vector<1x16xf32> to vector<16xf32>
        %parallel_loop3A_270 = arith.addf %parallel_loop3A_263, %parallel_loop3A_269 : vector<16xf32>
        %parallel_loop3A_271 = arith.constant 1 : i32
        %parallel_loop3A_272 = arith.index_cast %parallel_loop3A_271 : i32 to index
        %parallel_loop3A_273 = arith.index_cast %parallel_loop3A_257 : i32 to index
        %parallel_loop3A_274 = arith.constant 0 : index
        %parallel_loop3A_275 = tpu.vector_load %arg7[%parallel_loop3A_272, %parallel_loop3A_273, %parallel_loop3A_274] {strides = array<i32>} : memref<4x100x64xf32, #tpu.memory_space<vmem>>, vector<1x1x16xf32>,
        %parallel_loop3A_276 = vector.shape_cast %parallel_loop3A_275 : vector<1x1x16xf32> to vector<16xf32>
        %parallel_loop3A_277 = vector.shape_cast %parallel_loop3A_270 : vector<16xf32> to vector<1x1x16xf32>
        tpu.vector_store %arg7[%parallel_loop3A_272, %parallel_loop3A_273, %parallel_loop3A_274], %parallel_loop3A_277 {strides = array<i32>} : memref<4x100x64xf32, #tpu.memory_space<vmem>>, vector<1x1x16xf32>,
        %parallel_loop3A_278 = arith.constant 1 : i32
        %parallel_loop3A_279 = arith.index_cast %parallel_loop3A_278 : i32 to index
        %parallel_loop3A_280 = arith.index_cast %parallel_loop3A_257 : i32 to index
        %parallel_loop3A_281 = arith.constant 16 : index
        %parallel_loop3A_282 = tpu.vector_load %arg7[%parallel_loop3A_279, %parallel_loop3A_280, %parallel_loop3A_281] {strides = array<i32>} : memref<4x100x64xf32, #tpu.memory_space<vmem>>, vector<1x1x16xf32>,
        %parallel_loop3A_283 = vector.shape_cast %parallel_loop3A_282 : vector<1x1x16xf32> to vector<16xf32>
        %parallel_loop3A_284 = arith.constant 100 : i32
        %parallel_loop3A_285 = arith.addi %parallel_loop3A_284, %parallel_loop3A_257 : i32
        %parallel_loop3A_286 = arith.index_cast %parallel_loop3A_285 : i32 to index
        %parallel_loop3A_287 = arith.constant 16 : index
        %parallel_loop3A_288 = tpu.vector_load %arg8[%parallel_loop3A_286, %parallel_loop3A_287] {strides = array<i32>} : memref<200x64xf32, #tpu.memory_space<vmem>>, vector<1x16xf32>,
        %parallel_loop3A_289 = vector.shape_cast %parallel_loop3A_288 : vector<1x16xf32> to vector<16xf32>
        %parallel_loop3A_290 = arith.addf %parallel_loop3A_283, %parallel_loop3A_289 : vector<16xf32>
        %parallel_loop3A_291 = arith.constant 1 : i32
        %parallel_loop3A_292 = arith.index_cast %parallel_loop3A_291 : i32 to index
        %parallel_loop3A_293 = arith.index_cast %parallel_loop3A_257 : i32 to index
        %parallel_loop3A_294 = arith.constant 16 : index
        %parallel_loop3A_295 = tpu.vector_load %arg7[%parallel_loop3A_292, %parallel_loop3A_293, %parallel_loop3A_294] {strides = array<i32>} : memref<4x100x64xf32, #tpu.memory_space<vmem>>, vector<1x1x16xf32>,
        %parallel_loop3A_296 = vector.shape_cast %parallel_loop3A_295 : vector<1x1x16xf32> to vector<16xf32>
        %parallel_loop3A_297 = vector.shape_cast %parallel_loop3A_290 : vector<16xf32> to vector<1x1x16xf32>
        tpu.vector_store %arg7[%parallel_loop3A_292, %parallel_loop3A_293, %parallel_loop3A_294], %parallel_loop3A_297 {strides = array<i32>} : memref<4x100x64xf32, #tpu.memory_space<vmem>>, vector<1x1x16xf32>,
        %parallel_loop3A_298 = arith.constant 1 : i32
        %parallel_loop3A_299 = arith.index_cast %parallel_loop3A_298 : i32 to index
        %parallel_loop3A_300 = arith.index_cast %parallel_loop3A_257 : i32 to index
        %parallel_loop3A_301 = arith.constant 32 : index
        %parallel_loop3A_302 = tpu.vector_load %arg7[%parallel_loop3A_299, %parallel_loop3A_300, %parallel_loop3A_301] {strides = array<i32>} : memref<4x100x64xf32, #tpu.memory_space<vmem>>, vector<1x1x16xf32>,
        %parallel_loop3A_303 = vector.shape_cast %parallel_loop3A_302 : vector<1x1x16xf32> to vector<16xf32>
        %parallel_loop3A_304 = arith.constant 100 : i32
        %parallel_loop3A_305 = arith.addi %parallel_loop3A_304, %parallel_loop3A_257 : i32
        %parallel_loop3A_306 = arith.index_cast %parallel_loop3A_305 : i32 to index
        %parallel_loop3A_307 = arith.constant 32 : index
        %parallel_loop3A_308 = tpu.vector_load %arg8[%parallel_loop3A_306, %parallel_loop3A_307] {strides = array<i32>} : memref<200x64xf32, #tpu.memory_space<vmem>>, vector<1x16xf32>,
        %parallel_loop3A_309 = vector.shape_cast %parallel_loop3A_308 : vector<1x16xf32> to vector<16xf32>
        %parallel_loop3A_310 = arith.addf %parallel_loop3A_303, %parallel_loop3A_309 : vector<16xf32>
        %parallel_loop3A_311 = arith.constant 1 : i32
        %parallel_loop3A_312 = arith.index_cast %parallel_loop3A_311 : i32 to index
        %parallel_loop3A_313 = arith.index_cast %parallel_loop3A_257 : i32 to index
        %parallel_loop3A_314 = arith.constant 32 : index
        %parallel_loop3A_315 = tpu.vector_load %arg7[%parallel_loop3A_312, %parallel_loop3A_313, %parallel_loop3A_314] {strides = array<i32>} : memref<4x100x64xf32, #tpu.memory_space<vmem>>, vector<1x1x16xf32>,
        %parallel_loop3A_316 = vector.shape_cast %parallel_loop3A_315 : vector<1x1x16xf32> to vector<16xf32>
        %parallel_loop3A_317 = vector.shape_cast %parallel_loop3A_310 : vector<16xf32> to vector<1x1x16xf32>
        tpu.vector_store %arg7[%parallel_loop3A_312, %parallel_loop3A_313, %parallel_loop3A_314], %parallel_loop3A_317 {strides = array<i32>} : memref<4x100x64xf32, #tpu.memory_space<vmem>>, vector<1x1x16xf32>,
        %parallel_loop3A_318 = arith.constant 1 : i32
        %parallel_loop3A_319 = arith.index_cast %parallel_loop3A_318 : i32 to index
        %parallel_loop3A_320 = arith.index_cast %parallel_loop3A_257 : i32 to index
        %parallel_loop3A_321 = arith.constant 48 : index
        %parallel_loop3A_322 = tpu.vector_load %arg7[%parallel_loop3A_319, %parallel_loop3A_320, %parallel_loop3A_321] {strides = array<i32>} : memref<4x100x64xf32, #tpu.memory_space<vmem>>, vector<1x1x16xf32>,
        %parallel_loop3A_323 = vector.shape_cast %parallel_loop3A_322 : vector<1x1x16xf32> to vector<16xf32>
        %parallel_loop3A_324 = arith.constant 100 : i32
        %parallel_loop3A_325 = arith.addi %parallel_loop3A_324, %parallel_loop3A_257 : i32
        %parallel_loop3A_326 = arith.index_cast %parallel_loop3A_325 : i32 to index
        %parallel_loop3A_327 = arith.constant 48 : index
        %parallel_loop3A_328 = tpu.vector_load %arg8[%parallel_loop3A_326, %parallel_loop3A_327] {strides = array<i32>} : memref<200x64xf32, #tpu.memory_space<vmem>>, vector<1x16xf32>,
        %parallel_loop3A_329 = vector.shape_cast %parallel_loop3A_328 : vector<1x16xf32> to vector<16xf32>
        %parallel_loop3A_330 = arith.addf %parallel_loop3A_323, %parallel_loop3A_329 : vector<16xf32>
        %parallel_loop3A_331 = arith.constant 1 : i32
        %parallel_loop3A_332 = arith.index_cast %parallel_loop3A_331 : i32 to index
        %parallel_loop3A_333 = arith.index_cast %parallel_loop3A_257 : i32 to index
        %parallel_loop3A_334 = arith.constant 48 : index
        %parallel_loop3A_335 = tpu.vector_load %arg7[%parallel_loop3A_332, %parallel_loop3A_333, %parallel_loop3A_334] {strides = array<i32>} : memref<4x100x64xf32, #tpu.memory_space<vmem>>, vector<1x1x16xf32>,
        %parallel_loop3A_336 = vector.shape_cast %parallel_loop3A_335 : vector<1x1x16xf32> to vector<16xf32>
        %parallel_loop3A_337 = vector.shape_cast %parallel_loop3A_330 : vector<16xf32> to vector<1x1x16xf32>
        tpu.vector_store %arg7[%parallel_loop3A_332, %parallel_loop3A_333, %parallel_loop3A_334], %parallel_loop3A_337 {strides = array<i32>} : memref<4x100x64xf32, #tpu.memory_space<vmem>>, vector<1x1x16xf32>,
      } {sc.loop_unroll_factor = 8 : i64, sc.parallel_access}
      %add3A_142 = arith.addi %mul3A_2, %add3A_115 : i32
      %dma_start3A_143 = arith.constant 1 : i32
      %dma_start3A_144 = arith.constant 0 : i32
      %dma_start3A_145 = arith.constant 0 : i32
      %dma_start3A_146 = tpu.memref_slice %arg7[%dma_start3A_143, %dma_start3A_144, %dma_start3A_145] : memref<4x100x64xf32, #tpu.memory_space<vmem>> -> memref<1x100x64xf32, #tpu.memory_space<vmem>>
      %dma_start3A_147 = tpu.memref_squeeze %dma_start3A_146 : memref<1x100x64xf32, #tpu.memory_space<vmem>> -> memref<100x64xf32, #tpu.memory_space<vmem>>
      %dma_start3A_148 = arith.constant 0 : i32
      %dma_start3A_149 = arith.constant 0 : i32
      %dma_start3A_150 = tpu.memref_slice %arg5[%add3A_142, %dma_start3A_148, %dma_start3A_149] : memref<8192x100x64xf32, #tpu.memory_space<hbm>> -> memref<1x100x64xf32, #tpu.memory_space<hbm>>
      %dma_start3A_151 = tpu.memref_squeeze %dma_start3A_150 : memref<1x100x64xf32, #tpu.memory_space<hbm>> -> memref<100x64xf32, #tpu.memory_space<hbm>>
      %dma_start3A_152 = arith.constant 0 : i32
      %dma_start3A_153 = arith.constant 0 : i32
      %dma_start3A_154 = tpu.memref_slice %arg5[%add3A_142, %dma_start3A_152, %dma_start3A_153] : memref<8192x100x64xf32, #tpu.memory_space<hbm>> -> memref<1x100x64xf32, #tpu.memory_space<hbm>>
      %dma_start3A_155 = tpu.memref_squeeze %dma_start3A_154 : memref<1x100x64xf32, #tpu.memory_space<hbm>> -> memref<100x64xf32, #tpu.memory_space<hbm>>
      %dma_start3A_156 = arith.constant 0 : i32
      %dma_start3A_157 = arith.constant 0 : i32
      %dma_start3A_158 = tpu.memref_slice %arg7[%dma_start3A_143, %dma_start3A_156, %dma_start3A_157] : memref<4x100x64xf32, #tpu.memory_space<vmem>> -> memref<1x100x64xf32, #tpu.memory_space<vmem>>
      %dma_start3A_159 = tpu.memref_squeeze %dma_start3A_158 : memref<1x100x64xf32, #tpu.memory_space<vmem>> -> memref<100x64xf32, #tpu.memory_space<vmem>>
      tpu.enqueue_dma source(%dma_start3A_159 : memref<100x64xf32, #tpu.memory_space<vmem>>) target(%dma_start3A_155 : memref<100x64xf32, #tpu.memory_space<hbm>>) target_semaphore(%arg14 : memref<!tpu.dma_semaphore, #tpu.memory_space<semaphore_mem>>)
      %mul3A_160 = arith.constant 4 : i32
      %mul3A_161 = arith.muli %scan3A_67, %mul3A_160 : i32
      %add3A_162 = arith.constant 2 : i32
      %add3A_163 = arith.addi %mul3A_161, %add3A_162 : i32
      %ge3A_164 = arith.constant 2 : i32
      %ge3A_165 = arith.cmpi sge, %add3A_163, %ge3A_164 : i32
      %convert_element_type3A_166 = arith.extui %ge3A_165 : i1 to i32
      %cond3A_167 = arith.constant 0 : i32
      %cond3A_168 = arith.cmpi ne, %convert_element_type3A_166, %cond3A_167 : i32
      scf.if %cond3A_168 {
        %dma_wait3A_257 = arith.constant 0 : i32
        %dma_wait3A_258 = arith.constant 0 : i32
        %dma_wait3A_259 = arith.constant 0 : i32
        %dma_wait3A_260 = arith.constant 0 : i32
        %dma_wait3A_261 = tpu.memref_slice %arg7[%dma_wait3A_257, %dma_wait3A_259, %dma_wait3A_260] : memref<4x100x64xf32, #tpu.memory_space<vmem>> -> memref<1x100x64xf32, #tpu.memory_space<vmem>>
        %dma_wait3A_262 = tpu.memref_squeeze %dma_wait3A_261 : memref<1x100x64xf32, #tpu.memory_space<vmem>> -> memref<100x64xf32, #tpu.memory_space<vmem>>
        %dma_wait3A_263 = arith.constant 0 : i32
        %dma_wait3A_264 = arith.constant 0 : i32
        %dma_wait3A_265 = tpu.memref_slice %arg5[%dma_wait3A_258, %dma_wait3A_263, %dma_wait3A_264] : memref<8192x100x64xf32, #tpu.memory_space<hbm>> -> memref<1x100x64xf32, #tpu.memory_space<hbm>>
        %dma_wait3A_266 = tpu.memref_squeeze %dma_wait3A_265 : memref<1x100x64xf32, #tpu.memory_space<hbm>> -> memref<100x64xf32, #tpu.memory_space<hbm>>
        %dma_wait3A_267 = arith.constant 0 : i32
        %dma_wait3A_268 = arith.constant 0 : i32
        %dma_wait3A_269 = tpu.memref_slice %arg5[%dma_wait3A_258, %dma_wait3A_267, %dma_wait3A_268] : memref<8192x100x64xf32, #tpu.memory_space<hbm>> -> memref<1x100x64xf32, #tpu.memory_space<hbm>>
        %dma_wait3A_270 = tpu.memref_squeeze %dma_wait3A_269 : memref<1x100x64xf32, #tpu.memory_space<hbm>> -> memref<100x64xf32, #tpu.memory_space<hbm>>
        %dma_wait3A_271 = arith.constant 0 : i32
        %dma_wait3A_272 = arith.constant 0 : i32
        %dma_wait3A_273 = tpu.memref_slice %arg7[%dma_wait3A_257, %dma_wait3A_271, %dma_wait3A_272] : memref<4x100x64xf32, #tpu.memory_space<vmem>> -> memref<1x100x64xf32, #tpu.memory_space<vmem>>
        %dma_wait3A_274 = tpu.memref_squeeze %dma_wait3A_273 : memref<1x100x64xf32, #tpu.memory_space<vmem>> -> memref<100x64xf32, #tpu.memory_space<vmem>>
        tpu.wait_dma2 semaphore(%arg13 : memref<!tpu.dma_semaphore, #tpu.memory_space<semaphore_mem>>) src(%dma_wait3A_274 : memref<100x64xf32, #tpu.memory_space<vmem>>) dst(%dma_wait3A_270 : memref<100x64xf32, #tpu.memory_space<hbm>>)
      } else {
      }
      %add3A_169 = arith.constant 2 : i32
      %add3A_170 = arith.addi %add3A_163, %add3A_169 : i32
      %lt3A_171 = arith.constant 256 : i32
      %lt3A_172 = arith.cmpi slt, %add3A_170, %lt3A_171 : i32
      %convert_element_type3A_173 = arith.extui %lt3A_172 : i1 to i32
      %cond3A_174 = arith.constant 0 : i32
      %cond3A_175 = arith.cmpi ne, %convert_element_type3A_173, %cond3A_174 : i32
      scf.if %cond3A_175 {
        %add3A_257 = arith.constant 2 : i32
        %add3A_258 = arith.addi %add3A_163, %add3A_257 : i32
        %dma_start3A_259 = arith.constant 0 : i32
        %dma_start3A_260 = arith.constant 0 : i32
        %dma_start3A_261 = arith.constant 0 : i32
        %dma_start3A_262 = tpu.memref_slice %arg7[%dma_start3A_259, %dma_start3A_260, %dma_start3A_261] : memref<4x100x64xf32, #tpu.memory_space<vmem>> -> memref<1x100x64xf32, #tpu.memory_space<vmem>>
        %dma_start3A_263 = tpu.memref_squeeze %dma_start3A_262 : memref<1x100x64xf32, #tpu.memory_space<vmem>> -> memref<100x64xf32, #tpu.memory_space<vmem>>
        %dma_start3A_264 = arith.constant 0 : i32
        %dma_start3A_265 = tpu.memref_slice %arg6[%add3A_258, %dma_start3A_264] : memref<256x100xi32, #tpu.memory_space<vmem>> -> memref<1x100xi32, #tpu.memory_space<vmem>>
        %dma_start3A_266 = tpu.memref_squeeze %dma_start3A_265 : memref<1x100xi32, #tpu.memory_space<vmem>> -> memref<100xi32, #tpu.memory_space<vmem>>
        %dma_start3A_267 = arith.constant 0 : i32
        %dma_start3A_268 = arith.constant 0 : i32
        %dma_start3A_269 = tpu.memref_slice %arg3[%dma_start3A_267, %dma_start3A_268] : memref<100000x64xf32, #tpu.memory_space<hbm>> -> memref<100000x64xf32, #tpu.memory_space<hbm>>
        tpu.enqueue_indirect_dma source(%dma_start3A_269 : memref<100000x64xf32, #tpu.memory_space<hbm>>) target(%dma_start3A_263 : memref<100x64xf32, #tpu.memory_space<vmem>>) offsets(%dma_start3A_266 : memref<100xi32, #tpu.memory_space<vmem>>) semaphore(%arg9 : memref<!tpu.dma_semaphore, #tpu.memory_space<semaphore_mem>>)
      } else {
      }
      %dma_wait3A_176 = arith.constant 2 : i32
      %dma_wait3A_177 = arith.constant 0 : i32
      %dma_wait3A_178 = arith.constant 0 : i32
      %dma_wait3A_179 = tpu.memref_slice %arg7[%dma_wait3A_176, %dma_wait3A_177, %dma_wait3A_178] : memref<4x100x64xf32, #tpu.memory_space<vmem>> -> memref<1x100x64xf32, #tpu.memory_space<vmem>>
      %dma_wait3A_180 = tpu.memref_squeeze %dma_wait3A_179 : memref<1x100x64xf32, #tpu.memory_space<vmem>> -> memref<100x64xf32, #tpu.memory_space<vmem>>
      %dma_wait3A_181 = arith.constant 0 : i32
      %dma_wait3A_182 = tpu.memref_slice %arg6[%add3A_163, %dma_wait3A_181] : memref<256x100xi32, #tpu.memory_space<vmem>> -> memref<1x100xi32, #tpu.memory_space<vmem>>
      %dma_wait3A_183 = tpu.memref_squeeze %dma_wait3A_182 : memref<1x100xi32, #tpu.memory_space<vmem>> -> memref<100xi32, #tpu.memory_space<vmem>>
      %dma_wait3A_184 = arith.constant 0 : i32
      %dma_wait3A_185 = arith.constant 0 : i32
      %dma_wait3A_186 = tpu.memref_slice %arg3[%dma_wait3A_184, %dma_wait3A_185] : memref<100000x64xf32, #tpu.memory_space<hbm>> -> memref<100000x64xf32, #tpu.memory_space<hbm>>
      tpu.wait_indirect_dma semaphore(%arg11 : memref<!tpu.dma_semaphore, #tpu.memory_space<semaphore_mem>>) src(%dma_wait3A_186 : memref<100000x64xf32, #tpu.memory_space<hbm>>) dst(%dma_wait3A_180 : memref<100x64xf32, #tpu.memory_space<vmem>>)
      %parallel_loop3A_187 = arith.constant 0 : i32
      %parallel_loop3A_188 = arith.constant 100 : i32
      %parallel_loop3A_189 = arith.constant 1 : i32
      scf.for %parallel_loop3A_257 = %parallel_loop3A_187 to %parallel_loop3A_188 step %parallel_loop3A_189  : i32 {
        %parallel_loop3A_258 = arith.constant 2 : i32
        %parallel_loop3A_259 = arith.index_cast %parallel_loop3A_258 : i32 to index
        %parallel_loop3A_260 = arith.index_cast %parallel_loop3A_257 : i32 to index
        %parallel_loop3A_261 = arith.constant 0 : index
        %parallel_loop3A_262 = tpu.vector_load %arg7[%parallel_loop3A_259, %parallel_loop3A_260, %parallel_loop3A_261] {strides = array<i32>} : memref<4x100x64xf32, #tpu.memory_space<vmem>>, vector<1x1x16xf32>,
        %parallel_loop3A_263 = vector.shape_cast %parallel_loop3A_262 : vector<1x1x16xf32> to vector<16xf32>
        %parallel_loop3A_264 = arith.constant 0 : i32
        %parallel_loop3A_265 = arith.addi %parallel_loop3A_264, %parallel_loop3A_257 : i32
        %parallel_loop3A_266 = arith.index_cast %parallel_loop3A_265 : i32 to index
        %parallel_loop3A_267 = arith.constant 0 : index
        %parallel_loop3A_268 = tpu.vector_load %arg8[%parallel_loop3A_266, %parallel_loop3A_267] {strides = array<i32>} : memref<200x64xf32, #tpu.memory_space<vmem>>, vector<1x16xf32>,
        %parallel_loop3A_269 = vector.shape_cast %parallel_loop3A_268 : vector<1x16xf32> to vector<16xf32>
        %parallel_loop3A_270 = arith.addf %parallel_loop3A_263, %parallel_loop3A_269 : vector<16xf32>
        %parallel_loop3A_271 = arith.constant 2 : i32
        %parallel_loop3A_272 = arith.index_cast %parallel_loop3A_271 : i32 to index
        %parallel_loop3A_273 = arith.index_cast %parallel_loop3A_257 : i32 to index
        %parallel_loop3A_274 = arith.constant 0 : index
        %parallel_loop3A_275 = tpu.vector_load %arg7[%parallel_loop3A_272, %parallel_loop3A_273, %parallel_loop3A_274] {strides = array<i32>} : memref<4x100x64xf32, #tpu.memory_space<vmem>>, vector<1x1x16xf32>,
        %parallel_loop3A_276 = vector.shape_cast %parallel_loop3A_275 : vector<1x1x16xf32> to vector<16xf32>
        %parallel_loop3A_277 = vector.shape_cast %parallel_loop3A_270 : vector<16xf32> to vector<1x1x16xf32>
        tpu.vector_store %arg7[%parallel_loop3A_272, %parallel_loop3A_273, %parallel_loop3A_274], %parallel_loop3A_277 {strides = array<i32>} : memref<4x100x64xf32, #tpu.memory_space<vmem>>, vector<1x1x16xf32>,
        %parallel_loop3A_278 = arith.constant 2 : i32
        %parallel_loop3A_279 = arith.index_cast %parallel_loop3A_278 : i32 to index
        %parallel_loop3A_280 = arith.index_cast %parallel_loop3A_257 : i32 to index
        %parallel_loop3A_281 = arith.constant 16 : index
        %parallel_loop3A_282 = tpu.vector_load %arg7[%parallel_loop3A_279, %parallel_loop3A_280, %parallel_loop3A_281] {strides = array<i32>} : memref<4x100x64xf32, #tpu.memory_space<vmem>>, vector<1x1x16xf32>,
        %parallel_loop3A_283 = vector.shape_cast %parallel_loop3A_282 : vector<1x1x16xf32> to vector<16xf32>
        %parallel_loop3A_284 = arith.constant 0 : i32
        %parallel_loop3A_285 = arith.addi %parallel_loop3A_284, %parallel_loop3A_257 : i32
        %parallel_loop3A_286 = arith.index_cast %parallel_loop3A_285 : i32 to index
        %parallel_loop3A_287 = arith.constant 16 : index
        %parallel_loop3A_288 = tpu.vector_load %arg8[%parallel_loop3A_286, %parallel_loop3A_287] {strides = array<i32>} : memref<200x64xf32, #tpu.memory_space<vmem>>, vector<1x16xf32>,
        %parallel_loop3A_289 = vector.shape_cast %parallel_loop3A_288 : vector<1x16xf32> to vector<16xf32>
        %parallel_loop3A_290 = arith.addf %parallel_loop3A_283, %parallel_loop3A_289 : vector<16xf32>
        %parallel_loop3A_291 = arith.constant 2 : i32
        %parallel_loop3A_292 = arith.index_cast %parallel_loop3A_291 : i32 to index
        %parallel_loop3A_293 = arith.index_cast %parallel_loop3A_257 : i32 to index
        %parallel_loop3A_294 = arith.constant 16 : index
        %parallel_loop3A_295 = tpu.vector_load %arg7[%parallel_loop3A_292, %parallel_loop3A_293, %parallel_loop3A_294] {strides = array<i32>} : memref<4x100x64xf32, #tpu.memory_space<vmem>>, vector<1x1x16xf32>,
        %parallel_loop3A_296 = vector.shape_cast %parallel_loop3A_295 : vector<1x1x16xf32> to vector<16xf32>
        %parallel_loop3A_297 = vector.shape_cast %parallel_loop3A_290 : vector<16xf32> to vector<1x1x16xf32>
        tpu.vector_store %arg7[%parallel_loop3A_292, %parallel_loop3A_293, %parallel_loop3A_294], %parallel_loop3A_297 {strides = array<i32>} : memref<4x100x64xf32, #tpu.memory_space<vmem>>, vector<1x1x16xf32>,
        %parallel_loop3A_298 = arith.constant 2 : i32
        %parallel_loop3A_299 = arith.index_cast %parallel_loop3A_298 : i32 to index
        %parallel_loop3A_300 = arith.index_cast %parallel_loop3A_257 : i32 to index
        %parallel_loop3A_301 = arith.constant 32 : index
        %parallel_loop3A_302 = tpu.vector_load %arg7[%parallel_loop3A_299, %parallel_loop3A_300, %parallel_loop3A_301] {strides = array<i32>} : memref<4x100x64xf32, #tpu.memory_space<vmem>>, vector<1x1x16xf32>,
        %parallel_loop3A_303 = vector.shape_cast %parallel_loop3A_302 : vector<1x1x16xf32> to vector<16xf32>
        %parallel_loop3A_304 = arith.constant 0 : i32
        %parallel_loop3A_305 = arith.addi %parallel_loop3A_304, %parallel_loop3A_257 : i32
        %parallel_loop3A_306 = arith.index_cast %parallel_loop3A_305 : i32 to index
        %parallel_loop3A_307 = arith.constant 32 : index
        %parallel_loop3A_308 = tpu.vector_load %arg8[%parallel_loop3A_306, %parallel_loop3A_307] {strides = array<i32>} : memref<200x64xf32, #tpu.memory_space<vmem>>, vector<1x16xf32>,
        %parallel_loop3A_309 = vector.shape_cast %parallel_loop3A_308 : vector<1x16xf32> to vector<16xf32>
        %parallel_loop3A_310 = arith.addf %parallel_loop3A_303, %parallel_loop3A_309 : vector<16xf32>
        %parallel_loop3A_311 = arith.constant 2 : i32
        %parallel_loop3A_312 = arith.index_cast %parallel_loop3A_311 : i32 to index
        %parallel_loop3A_313 = arith.index_cast %parallel_loop3A_257 : i32 to index
        %parallel_loop3A_314 = arith.constant 32 : index
        %parallel_loop3A_315 = tpu.vector_load %arg7[%parallel_loop3A_312, %parallel_loop3A_313, %parallel_loop3A_314] {strides = array<i32>} : memref<4x100x64xf32, #tpu.memory_space<vmem>>, vector<1x1x16xf32>,
        %parallel_loop3A_316 = vector.shape_cast %parallel_loop3A_315 : vector<1x1x16xf32> to vector<16xf32>
        %parallel_loop3A_317 = vector.shape_cast %parallel_loop3A_310 : vector<16xf32> to vector<1x1x16xf32>
        tpu.vector_store %arg7[%parallel_loop3A_312, %parallel_loop3A_313, %parallel_loop3A_314], %parallel_loop3A_317 {strides = array<i32>} : memref<4x100x64xf32, #tpu.memory_space<vmem>>, vector<1x1x16xf32>,
        %parallel_loop3A_318 = arith.constant 2 : i32
        %parallel_loop3A_319 = arith.index_cast %parallel_loop3A_318 : i32 to index
        %parallel_loop3A_320 = arith.index_cast %parallel_loop3A_257 : i32 to index
        %parallel_loop3A_321 = arith.constant 48 : index
        %parallel_loop3A_322 = tpu.vector_load %arg7[%parallel_loop3A_319, %parallel_loop3A_320, %parallel_loop3A_321] {strides = array<i32>} : memref<4x100x64xf32, #tpu.memory_space<vmem>>, vector<1x1x16xf32>,
        %parallel_loop3A_323 = vector.shape_cast %parallel_loop3A_322 : vector<1x1x16xf32> to vector<16xf32>
        %parallel_loop3A_324 = arith.constant 0 : i32
        %parallel_loop3A_325 = arith.addi %parallel_loop3A_324, %parallel_loop3A_257 : i32
        %parallel_loop3A_326 = arith.index_cast %parallel_loop3A_325 : i32 to index
        %parallel_loop3A_327 = arith.constant 48 : index
        %parallel_loop3A_328 = tpu.vector_load %arg8[%parallel_loop3A_326, %parallel_loop3A_327] {strides = array<i32>} : memref<200x64xf32, #tpu.memory_space<vmem>>, vector<1x16xf32>,
        %parallel_loop3A_329 = vector.shape_cast %parallel_loop3A_328 : vector<1x16xf32> to vector<16xf32>
        %parallel_loop3A_330 = arith.addf %parallel_loop3A_323, %parallel_loop3A_329 : vector<16xf32>
        %parallel_loop3A_331 = arith.constant 2 : i32
        %parallel_loop3A_332 = arith.index_cast %parallel_loop3A_331 : i32 to index
        %parallel_loop3A_333 = arith.index_cast %parallel_loop3A_257 : i32 to index
        %parallel_loop3A_334 = arith.constant 48 : index
        %parallel_loop3A_335 = tpu.vector_load %arg7[%parallel_loop3A_332, %parallel_loop3A_333, %parallel_loop3A_334] {strides = array<i32>} : memref<4x100x64xf32, #tpu.memory_space<vmem>>, vector<1x1x16xf32>,
        %parallel_loop3A_336 = vector.shape_cast %parallel_loop3A_335 : vector<1x1x16xf32> to vector<16xf32>
        %parallel_loop3A_337 = vector.shape_cast %parallel_loop3A_330 : vector<16xf32> to vector<1x1x16xf32>
        tpu.vector_store %arg7[%parallel_loop3A_332, %parallel_loop3A_333, %parallel_loop3A_334], %parallel_loop3A_337 {strides = array<i32>} : memref<4x100x64xf32, #tpu.memory_space<vmem>>, vector<1x1x16xf32>,
      } {sc.loop_unroll_factor = 8 : i64, sc.parallel_access}
      %add3A_190 = arith.addi %mul3A_2, %add3A_163 : i32
      %dma_start3A_191 = arith.constant 2 : i32
      %dma_start3A_192 = arith.constant 0 : i32
      %dma_start3A_193 = arith.constant 0 : i32
      %dma_start3A_194 = tpu.memref_slice %arg7[%dma_start3A_191, %dma_start3A_192, %dma_start3A_193] : memref<4x100x64xf32, #tpu.memory_space<vmem>> -> memref<1x100x64xf32, #tpu.memory_space<vmem>>
      %dma_start3A_195 = tpu.memref_squeeze %dma_start3A_194 : memref<1x100x64xf32, #tpu.memory_space<vmem>> -> memref<100x64xf32, #tpu.memory_space<vmem>>
      %dma_start3A_196 = arith.constant 0 : i32
      %dma_start3A_197 = arith.constant 0 : i32
      %dma_start3A_198 = tpu.memref_slice %arg5[%add3A_190, %dma_start3A_196, %dma_start3A_197] : memref<8192x100x64xf32, #tpu.memory_space<hbm>> -> memref<1x100x64xf32, #tpu.memory_space<hbm>>
      %dma_start3A_199 = tpu.memref_squeeze %dma_start3A_198 : memref<1x100x64xf32, #tpu.memory_space<hbm>> -> memref<100x64xf32, #tpu.memory_space<hbm>>
      %dma_start3A_200 = arith.constant 0 : i32
      %dma_start3A_201 = arith.constant 0 : i32
      %dma_start3A_202 = tpu.memref_slice %arg5[%add3A_190, %dma_start3A_200, %dma_start3A_201] : memref<8192x100x64xf32, #tpu.memory_space<hbm>> -> memref<1x100x64xf32, #tpu.memory_space<hbm>>
      %dma_start3A_203 = tpu.memref_squeeze %dma_start3A_202 : memref<1x100x64xf32, #tpu.memory_space<hbm>> -> memref<100x64xf32, #tpu.memory_space<hbm>>
      %dma_start3A_204 = arith.constant 0 : i32
      %dma_start3A_205 = arith.constant 0 : i32
      %dma_start3A_206 = tpu.memref_slice %arg7[%dma_start3A_191, %dma_start3A_204, %dma_start3A_205] : memref<4x100x64xf32, #tpu.memory_space<vmem>> -> memref<1x100x64xf32, #tpu.memory_space<vmem>>
      %dma_start3A_207 = tpu.memref_squeeze %dma_start3A_206 : memref<1x100x64xf32, #tpu.memory_space<vmem>> -> memref<100x64xf32, #tpu.memory_space<vmem>>
      tpu.enqueue_dma source(%dma_start3A_207 : memref<100x64xf32, #tpu.memory_space<vmem>>) target(%dma_start3A_203 : memref<100x64xf32, #tpu.memory_space<hbm>>) target_semaphore(%arg15 : memref<!tpu.dma_semaphore, #tpu.memory_space<semaphore_mem>>)
      %mul3A_208 = arith.constant 4 : i32
      %mul3A_209 = arith.muli %scan3A_67, %mul3A_208 : i32
      %add3A_210 = arith.constant 3 : i32
      %add3A_211 = arith.addi %mul3A_209, %add3A_210 : i32
      %ge3A_212 = arith.constant 2 : i32
      %ge3A_213 = arith.cmpi sge, %add3A_211, %ge3A_212 : i32
      %convert_element_type3A_214 = arith.extui %ge3A_213 : i1 to i32
      %cond3A_215 = arith.constant 0 : i32
      %cond3A_216 = arith.cmpi ne, %convert_element_type3A_214, %cond3A_215 : i32
      scf.if %cond3A_216 {
        %dma_wait3A_257 = arith.constant 1 : i32
        %dma_wait3A_258 = arith.constant 0 : i32
        %dma_wait3A_259 = arith.constant 0 : i32
        %dma_wait3A_260 = arith.constant 0 : i32
        %dma_wait3A_261 = tpu.memref_slice %arg7[%dma_wait3A_257, %dma_wait3A_259, %dma_wait3A_260] : memref<4x100x64xf32, #tpu.memory_space<vmem>> -> memref<1x100x64xf32, #tpu.memory_space<vmem>>
        %dma_wait3A_262 = tpu.memref_squeeze %dma_wait3A_261 : memref<1x100x64xf32, #tpu.memory_space<vmem>> -> memref<100x64xf32, #tpu.memory_space<vmem>>
        %dma_wait3A_263 = arith.constant 0 : i32
        %dma_wait3A_264 = arith.constant 0 : i32
        %dma_wait3A_265 = tpu.memref_slice %arg5[%dma_wait3A_258, %dma_wait3A_263, %dma_wait3A_264] : memref<8192x100x64xf32, #tpu.memory_space<hbm>> -> memref<1x100x64xf32, #tpu.memory_space<hbm>>
        %dma_wait3A_266 = tpu.memref_squeeze %dma_wait3A_265 : memref<1x100x64xf32, #tpu.memory_space<hbm>> -> memref<100x64xf32, #tpu.memory_space<hbm>>
        %dma_wait3A_267 = arith.constant 0 : i32
        %dma_wait3A_268 = arith.constant 0 : i32
        %dma_wait3A_269 = tpu.memref_slice %arg5[%dma_wait3A_258, %dma_wait3A_267, %dma_wait3A_268] : memref<8192x100x64xf32, #tpu.memory_space<hbm>> -> memref<1x100x64xf32, #tpu.memory_space<hbm>>
        %dma_wait3A_270 = tpu.memref_squeeze %dma_wait3A_269 : memref<1x100x64xf32, #tpu.memory_space<hbm>> -> memref<100x64xf32, #tpu.memory_space<hbm>>
        %dma_wait3A_271 = arith.constant 0 : i32
        %dma_wait3A_272 = arith.constant 0 : i32
        %dma_wait3A_273 = tpu.memref_slice %arg7[%dma_wait3A_257, %dma_wait3A_271, %dma_wait3A_272] : memref<4x100x64xf32, #tpu.memory_space<vmem>> -> memref<1x100x64xf32, #tpu.memory_space<vmem>>
        %dma_wait3A_274 = tpu.memref_squeeze %dma_wait3A_273 : memref<1x100x64xf32, #tpu.memory_space<vmem>> -> memref<100x64xf32, #tpu.memory_space<vmem>>
        tpu.wait_dma2 semaphore(%arg14 : memref<!tpu.dma_semaphore, #tpu.memory_space<semaphore_mem>>) src(%dma_wait3A_274 : memref<100x64xf32, #tpu.memory_space<vmem>>) dst(%dma_wait3A_270 : memref<100x64xf32, #tpu.memory_space<hbm>>)
      } else {
      }
      %add3A_217 = arith.constant 2 : i32
      %add3A_218 = arith.addi %add3A_211, %add3A_217 : i32
      %lt3A_219 = arith.constant 256 : i32
      %lt3A_220 = arith.cmpi slt, %add3A_218, %lt3A_219 : i32
      %convert_element_type3A_221 = arith.extui %lt3A_220 : i1 to i32
      %cond3A_222 = arith.constant 0 : i32
      %cond3A_223 = arith.cmpi ne, %convert_element_type3A_221, %cond3A_222 : i32
      scf.if %cond3A_223 {
        %add3A_257 = arith.constant 2 : i32
        %add3A_258 = arith.addi %add3A_211, %add3A_257 : i32
        %dma_start3A_259 = arith.constant 1 : i32
        %dma_start3A_260 = arith.constant 0 : i32
        %dma_start3A_261 = arith.constant 0 : i32
        %dma_start3A_262 = tpu.memref_slice %arg7[%dma_start3A_259, %dma_start3A_260, %dma_start3A_261] : memref<4x100x64xf32, #tpu.memory_space<vmem>> -> memref<1x100x64xf32, #tpu.memory_space<vmem>>
        %dma_start3A_263 = tpu.memref_squeeze %dma_start3A_262 : memref<1x100x64xf32, #tpu.memory_space<vmem>> -> memref<100x64xf32, #tpu.memory_space<vmem>>
        %dma_start3A_264 = arith.constant 0 : i32
        %dma_start3A_265 = tpu.memref_slice %arg6[%add3A_258, %dma_start3A_264] : memref<256x100xi32, #tpu.memory_space<vmem>> -> memref<1x100xi32, #tpu.memory_space<vmem>>
        %dma_start3A_266 = tpu.memref_squeeze %dma_start3A_265 : memref<1x100xi32, #tpu.memory_space<vmem>> -> memref<100xi32, #tpu.memory_space<vmem>>
        %dma_start3A_267 = arith.constant 0 : i32
        %dma_start3A_268 = arith.constant 0 : i32
        %dma_start3A_269 = tpu.memref_slice %arg3[%dma_start3A_267, %dma_start3A_268] : memref<100000x64xf32, #tpu.memory_space<hbm>> -> memref<100000x64xf32, #tpu.memory_space<hbm>>
        tpu.enqueue_indirect_dma source(%dma_start3A_269 : memref<100000x64xf32, #tpu.memory_space<hbm>>) target(%dma_start3A_263 : memref<100x64xf32, #tpu.memory_space<vmem>>) offsets(%dma_start3A_266 : memref<100xi32, #tpu.memory_space<vmem>>) semaphore(%arg10 : memref<!tpu.dma_semaphore, #tpu.memory_space<semaphore_mem>>)
      } else {
      }
      %dma_wait3A_224 = arith.constant 3 : i32
      %dma_wait3A_225 = arith.constant 0 : i32
      %dma_wait3A_226 = arith.constant 0 : i32
      %dma_wait3A_227 = tpu.memref_slice %arg7[%dma_wait3A_224, %dma_wait3A_225, %dma_wait3A_226] : memref<4x100x64xf32, #tpu.memory_space<vmem>> -> memref<1x100x64xf32, #tpu.memory_space<vmem>>
      %dma_wait3A_228 = tpu.memref_squeeze %dma_wait3A_227 : memref<1x100x64xf32, #tpu.memory_space<vmem>> -> memref<100x64xf32, #tpu.memory_space<vmem>>
      %dma_wait3A_229 = arith.constant 0 : i32
      %dma_wait3A_230 = tpu.memref_slice %arg6[%add3A_211, %dma_wait3A_229] : memref<256x100xi32, #tpu.memory_space<vmem>> -> memref<1x100xi32, #tpu.memory_space<vmem>>
      %dma_wait3A_231 = tpu.memref_squeeze %dma_wait3A_230 : memref<1x100xi32, #tpu.memory_space<vmem>> -> memref<100xi32, #tpu.memory_space<vmem>>
      %dma_wait3A_232 = arith.constant 0 : i32
      %dma_wait3A_233 = arith.constant 0 : i32
      %dma_wait3A_234 = tpu.memref_slice %arg3[%dma_wait3A_232, %dma_wait3A_233] : memref<100000x64xf32, #tpu.memory_space<hbm>> -> memref<100000x64xf32, #tpu.memory_space<hbm>>
      tpu.wait_indirect_dma semaphore(%arg12 : memref<!tpu.dma_semaphore, #tpu.memory_space<semaphore_mem>>) src(%dma_wait3A_234 : memref<100000x64xf32, #tpu.memory_space<hbm>>) dst(%dma_wait3A_228 : memref<100x64xf32, #tpu.memory_space<vmem>>)
      %parallel_loop3A_235 = arith.constant 0 : i32
      %parallel_loop3A_236 = arith.constant 100 : i32
      %parallel_loop3A_237 = arith.constant 1 : i32
      scf.for %parallel_loop3A_257 = %parallel_loop3A_235 to %parallel_loop3A_236 step %parallel_loop3A_237  : i32 {
        %parallel_loop3A_258 = arith.constant 3 : i32
        %parallel_loop3A_259 = arith.index_cast %parallel_loop3A_258 : i32 to index
        %parallel_loop3A_260 = arith.index_cast %parallel_loop3A_257 : i32 to index
        %parallel_loop3A_261 = arith.constant 0 : index
        %parallel_loop3A_262 = tpu.vector_load %arg7[%parallel_loop3A_259, %parallel_loop3A_260, %parallel_loop3A_261] {strides = array<i32>} : memref<4x100x64xf32, #tpu.memory_space<vmem>>, vector<1x1x16xf32>,
        %parallel_loop3A_263 = vector.shape_cast %parallel_loop3A_262 : vector<1x1x16xf32> to vector<16xf32>
        %parallel_loop3A_264 = arith.constant 100 : i32
        %parallel_loop3A_265 = arith.addi %parallel_loop3A_264, %parallel_loop3A_257 : i32
        %parallel_loop3A_266 = arith.index_cast %parallel_loop3A_265 : i32 to index
        %parallel_loop3A_267 = arith.constant 0 : index
        %parallel_loop3A_268 = tpu.vector_load %arg8[%parallel_loop3A_266, %parallel_loop3A_267] {strides = array<i32>} : memref<200x64xf32, #tpu.memory_space<vmem>>, vector<1x16xf32>,
        %parallel_loop3A_269 = vector.shape_cast %parallel_loop3A_268 : vector<1x16xf32> to vector<16xf32>
        %parallel_loop3A_270 = arith.addf %parallel_loop3A_263, %parallel_loop3A_269 : vector<16xf32>
        %parallel_loop3A_271 = arith.constant 3 : i32
        %parallel_loop3A_272 = arith.index_cast %parallel_loop3A_271 : i32 to index
        %parallel_loop3A_273 = arith.index_cast %parallel_loop3A_257 : i32 to index
        %parallel_loop3A_274 = arith.constant 0 : index
        %parallel_loop3A_275 = tpu.vector_load %arg7[%parallel_loop3A_272, %parallel_loop3A_273, %parallel_loop3A_274] {strides = array<i32>} : memref<4x100x64xf32, #tpu.memory_space<vmem>>, vector<1x1x16xf32>,
        %parallel_loop3A_276 = vector.shape_cast %parallel_loop3A_275 : vector<1x1x16xf32> to vector<16xf32>
        %parallel_loop3A_277 = vector.shape_cast %parallel_loop3A_270 : vector<16xf32> to vector<1x1x16xf32>
        tpu.vector_store %arg7[%parallel_loop3A_272, %parallel_loop3A_273, %parallel_loop3A_274], %parallel_loop3A_277 {strides = array<i32>} : memref<4x100x64xf32, #tpu.memory_space<vmem>>, vector<1x1x16xf32>,
        %parallel_loop3A_278 = arith.constant 3 : i32
        %parallel_loop3A_279 = arith.index_cast %parallel_loop3A_278 : i32 to index
        %parallel_loop3A_280 = arith.index_cast %parallel_loop3A_257 : i32 to index
        %parallel_loop3A_281 = arith.constant 16 : index
        %parallel_loop3A_282 = tpu.vector_load %arg7[%parallel_loop3A_279, %parallel_loop3A_280, %parallel_loop3A_281] {strides = array<i32>} : memref<4x100x64xf32, #tpu.memory_space<vmem>>, vector<1x1x16xf32>,
        %parallel_loop3A_283 = vector.shape_cast %parallel_loop3A_282 : vector<1x1x16xf32> to vector<16xf32>
        %parallel_loop3A_284 = arith.constant 100 : i32
        %parallel_loop3A_285 = arith.addi %parallel_loop3A_284, %parallel_loop3A_257 : i32
        %parallel_loop3A_286 = arith.index_cast %parallel_loop3A_285 : i32 to index
        %parallel_loop3A_287 = arith.constant 16 : index
        %parallel_loop3A_288 = tpu.vector_load %arg8[%parallel_loop3A_286, %parallel_loop3A_287] {strides = array<i32>} : memref<200x64xf32, #tpu.memory_space<vmem>>, vector<1x16xf32>,
        %parallel_loop3A_289 = vector.shape_cast %parallel_loop3A_288 : vector<1x16xf32> to vector<16xf32>
        %parallel_loop3A_290 = arith.addf %parallel_loop3A_283, %parallel_loop3A_289 : vector<16xf32>
        %parallel_loop3A_291 = arith.constant 3 : i32
        %parallel_loop3A_292 = arith.index_cast %parallel_loop3A_291 : i32 to index
        %parallel_loop3A_293 = arith.index_cast %parallel_loop3A_257 : i32 to index
        %parallel_loop3A_294 = arith.constant 16 : index
        %parallel_loop3A_295 = tpu.vector_load %arg7[%parallel_loop3A_292, %parallel_loop3A_293, %parallel_loop3A_294] {strides = array<i32>} : memref<4x100x64xf32, #tpu.memory_space<vmem>>, vector<1x1x16xf32>,
        %parallel_loop3A_296 = vector.shape_cast %parallel_loop3A_295 : vector<1x1x16xf32> to vector<16xf32>
        %parallel_loop3A_297 = vector.shape_cast %parallel_loop3A_290 : vector<16xf32> to vector<1x1x16xf32>
        tpu.vector_store %arg7[%parallel_loop3A_292, %parallel_loop3A_293, %parallel_loop3A_294], %parallel_loop3A_297 {strides = array<i32>} : memref<4x100x64xf32, #tpu.memory_space<vmem>>, vector<1x1x16xf32>,
        %parallel_loop3A_298 = arith.constant 3 : i32
        %parallel_loop3A_299 = arith.index_cast %parallel_loop3A_298 : i32 to index
        %parallel_loop3A_300 = arith.index_cast %parallel_loop3A_257 : i32 to index
        %parallel_loop3A_301 = arith.constant 32 : index
        %parallel_loop3A_302 = tpu.vector_load %arg7[%parallel_loop3A_299, %parallel_loop3A_300, %parallel_loop3A_301] {strides = array<i32>} : memref<4x100x64xf32, #tpu.memory_space<vmem>>, vector<1x1x16xf32>,
        %parallel_loop3A_303 = vector.shape_cast %parallel_loop3A_302 : vector<1x1x16xf32> to vector<16xf32>
        %parallel_loop3A_304 = arith.constant 100 : i32
        %parallel_loop3A_305 = arith.addi %parallel_loop3A_304, %parallel_loop3A_257 : i32
        %parallel_loop3A_306 = arith.index_cast %parallel_loop3A_305 : i32 to index
        %parallel_loop3A_307 = arith.constant 32 : index
        %parallel_loop3A_308 = tpu.vector_load %arg8[%parallel_loop3A_306, %parallel_loop3A_307] {strides = array<i32>} : memref<200x64xf32, #tpu.memory_space<vmem>>, vector<1x16xf32>,
        %parallel_loop3A_309 = vector.shape_cast %parallel_loop3A_308 : vector<1x16xf32> to vector<16xf32>
        %parallel_loop3A_310 = arith.addf %parallel_loop3A_303, %parallel_loop3A_309 : vector<16xf32>
        %parallel_loop3A_311 = arith.constant 3 : i32
        %parallel_loop3A_312 = arith.index_cast %parallel_loop3A_311 : i32 to index
        %parallel_loop3A_313 = arith.index_cast %parallel_loop3A_257 : i32 to index
        %parallel_loop3A_314 = arith.constant 32 : index
        %parallel_loop3A_315 = tpu.vector_load %arg7[%parallel_loop3A_312, %parallel_loop3A_313, %parallel_loop3A_314] {strides = array<i32>} : memref<4x100x64xf32, #tpu.memory_space<vmem>>, vector<1x1x16xf32>,
        %parallel_loop3A_316 = vector.shape_cast %parallel_loop3A_315 : vector<1x1x16xf32> to vector<16xf32>
        %parallel_loop3A_317 = vector.shape_cast %parallel_loop3A_310 : vector<16xf32> to vector<1x1x16xf32>
        tpu.vector_store %arg7[%parallel_loop3A_312, %parallel_loop3A_313, %parallel_loop3A_314], %parallel_loop3A_317 {strides = array<i32>} : memref<4x100x64xf32, #tpu.memory_space<vmem>>, vector<1x1x16xf32>,
        %parallel_loop3A_318 = arith.constant 3 : i32
        %parallel_loop3A_319 = arith.index_cast %parallel_loop3A_318 : i32 to index
        %parallel_loop3A_320 = arith.index_cast %parallel_loop3A_257 : i32 to index
        %parallel_loop3A_321 = arith.constant 48 : index
        %parallel_loop3A_322 = tpu.vector_load %arg7[%parallel_loop3A_319, %parallel_loop3A_320, %parallel_loop3A_321] {strides = array<i32>} : memref<4x100x64xf32, #tpu.memory_space<vmem>>, vector<1x1x16xf32>,
        %parallel_loop3A_323 = vector.shape_cast %parallel_loop3A_322 : vector<1x1x16xf32> to vector<16xf32>
        %parallel_loop3A_324 = arith.constant 100 : i32
        %parallel_loop3A_325 = arith.addi %parallel_loop3A_324, %parallel_loop3A_257 : i32
        %parallel_loop3A_326 = arith.index_cast %parallel_loop3A_325 : i32 to index
        %parallel_loop3A_327 = arith.constant 48 : index
        %parallel_loop3A_328 = tpu.vector_load %arg8[%parallel_loop3A_326, %parallel_loop3A_327] {strides = array<i32>} : memref<200x64xf32, #tpu.memory_space<vmem>>, vector<1x16xf32>,
        %parallel_loop3A_329 = vector.shape_cast %parallel_loop3A_328 : vector<1x16xf32> to vector<16xf32>
        %parallel_loop3A_330 = arith.addf %parallel_loop3A_323, %parallel_loop3A_329 : vector<16xf32>
        %parallel_loop3A_331 = arith.constant 3 : i32
        %parallel_loop3A_332 = arith.index_cast %parallel_loop3A_331 : i32 to index
        %parallel_loop3A_333 = arith.index_cast %parallel_loop3A_257 : i32 to index
        %parallel_loop3A_334 = arith.constant 48 : index
        %parallel_loop3A_335 = tpu.vector_load %arg7[%parallel_loop3A_332, %parallel_loop3A_333, %parallel_loop3A_334] {strides = array<i32>} : memref<4x100x64xf32, #tpu.memory_space<vmem>>, vector<1x1x16xf32>,
        %parallel_loop3A_336 = vector.shape_cast %parallel_loop3A_335 : vector<1x1x16xf32> to vector<16xf32>
        %parallel_loop3A_337 = vector.shape_cast %parallel_loop3A_330 : vector<16xf32> to vector<1x1x16xf32>
        tpu.vector_store %arg7[%parallel_loop3A_332, %parallel_loop3A_333, %parallel_loop3A_334], %parallel_loop3A_337 {strides = array<i32>} : memref<4x100x64xf32, #tpu.memory_space<vmem>>, vector<1x1x16xf32>,
      } {sc.loop_unroll_factor = 8 : i64, sc.parallel_access}
      %add3A_238 = arith.addi %mul3A_2, %add3A_211 : i32
      %dma_start3A_239 = arith.constant 3 : i32
      %dma_start3A_240 = arith.constant 0 : i32
      %dma_start3A_241 = arith.constant 0 : i32
      %dma_start3A_242 = tpu.memref_slice %arg7[%dma_start3A_239, %dma_start3A_240, %dma_start3A_241] : memref<4x100x64xf32, #tpu.memory_space<vmem>> -> memref<1x100x64xf32, #tpu.memory_space<vmem>>
      %dma_start3A_243 = tpu.memref_squeeze %dma_start3A_242 : memref<1x100x64xf32, #tpu.memory_space<vmem>> -> memref<100x64xf32, #tpu.memory_space<vmem>>
      %dma_start3A_244 = arith.constant 0 : i32
      %dma_start3A_245 = arith.constant 0 : i32
      %dma_start3A_246 = tpu.memref_slice %arg5[%add3A_238, %dma_start3A_244, %dma_start3A_245] : memref<8192x100x64xf32, #tpu.memory_space<hbm>> -> memref<1x100x64xf32, #tpu.memory_space<hbm>>
      %dma_start3A_247 = tpu.memref_squeeze %dma_start3A_246 : memref<1x100x64xf32, #tpu.memory_space<hbm>> -> memref<100x64xf32, #tpu.memory_space<hbm>>
      %dma_start3A_248 = arith.constant 0 : i32
      %dma_start3A_249 = arith.constant 0 : i32
      %dma_start3A_250 = tpu.memref_slice %arg5[%add3A_238, %dma_start3A_248, %dma_start3A_249] : memref<8192x100x64xf32, #tpu.memory_space<hbm>> -> memref<1x100x64xf32, #tpu.memory_space<hbm>>
      %dma_start3A_251 = tpu.memref_squeeze %dma_start3A_250 : memref<1x100x64xf32, #tpu.memory_space<hbm>> -> memref<100x64xf32, #tpu.memory_space<hbm>>
      %dma_start3A_252 = arith.constant 0 : i32
      %dma_start3A_253 = arith.constant 0 : i32
      %dma_start3A_254 = tpu.memref_slice %arg7[%dma_start3A_239, %dma_start3A_252, %dma_start3A_253] : memref<4x100x64xf32, #tpu.memory_space<vmem>> -> memref<1x100x64xf32, #tpu.memory_space<vmem>>
      %dma_start3A_255 = tpu.memref_squeeze %dma_start3A_254 : memref<1x100x64xf32, #tpu.memory_space<vmem>> -> memref<100x64xf32, #tpu.memory_space<vmem>>
      tpu.enqueue_dma source(%dma_start3A_255 : memref<100x64xf32, #tpu.memory_space<vmem>>) target(%dma_start3A_251 : memref<100x64xf32, #tpu.memory_space<hbm>>) target_semaphore(%arg16 : memref<!tpu.dma_semaphore, #tpu.memory_space<semaphore_mem>>)
      %scan3A_256 = arith.constant 0 : i32
      scf.yield %scan3A_256 : i32
    }
    %scan3A_31 = arith.constant 64 : i32
    %dma_wait3A = arith.constant 2 : i32
    %dma_wait3A_32 = arith.constant 0 : i32
    %dma_wait3A_33 = arith.constant 0 : i32
    %dma_wait3A_34 = arith.constant 0 : i32
    %dma_wait3A_35 = tpu.memref_slice %arg7[%dma_wait3A, %dma_wait3A_33, %dma_wait3A_34] : memref<4x100x64xf32, #tpu.memory_space<vmem>> -> memref<1x100x64xf32, #tpu.memory_space<vmem>>
    %dma_wait3A_36 = tpu.memref_squeeze %dma_wait3A_35 : memref<1x100x64xf32, #tpu.memory_space<vmem>> -> memref<100x64xf32, #tpu.memory_space<vmem>>
    %dma_wait3A_37 = arith.constant 0 : i32
    %dma_wait3A_38 = arith.constant 0 : i32
    %dma_wait3A_39 = tpu.memref_slice %arg5[%dma_wait3A_32, %dma_wait3A_37, %dma_wait3A_38] : memref<8192x100x64xf32, #tpu.memory_space<hbm>> -> memref<1x100x64xf32, #tpu.memory_space<hbm>>
    %dma_wait3A_40 = tpu.memref_squeeze %dma_wait3A_39 : memref<1x100x64xf32, #tpu.memory_space<hbm>> -> memref<100x64xf32, #tpu.memory_space<hbm>>
    %dma_wait3A_41 = arith.constant 0 : i32
    %dma_wait3A_42 = arith.constant 0 : i32
    %dma_wait3A_43 = tpu.memref_slice %arg5[%dma_wait3A_32, %dma_wait3A_41, %dma_wait3A_42] : memref<8192x100x64xf32, #tpu.memory_space<hbm>> -> memref<1x100x64xf32, #tpu.memory_space<hbm>>
    %dma_wait3A_44 = tpu.memref_squeeze %dma_wait3A_43 : memref<1x100x64xf32, #tpu.memory_space<hbm>> -> memref<100x64xf32, #tpu.memory_space<hbm>>
    %dma_wait3A_45 = arith.constant 0 : i32
    %dma_wait3A_46 = arith.constant 0 : i32
    %dma_wait3A_47 = tpu.memref_slice %arg7[%dma_wait3A, %dma_wait3A_45, %dma_wait3A_46] : memref<4x100x64xf32, #tpu.memory_space<vmem>> -> memref<1x100x64xf32, #tpu.memory_space<vmem>>
    %dma_wait3A_48 = tpu.memref_squeeze %dma_wait3A_47 : memref<1x100x64xf32, #tpu.memory_space<vmem>> -> memref<100x64xf32, #tpu.memory_space<vmem>>
    tpu.wait_dma2 semaphore(%arg15 : memref<!tpu.dma_semaphore, #tpu.memory_space<semaphore_mem>>) src(%dma_wait3A_48 : memref<100x64xf32, #tpu.memory_space<vmem>>) dst(%dma_wait3A_44 : memref<100x64xf32, #tpu.memory_space<hbm>>)
    %dma_wait3A_49 = arith.constant 3 : i32
    %dma_wait3A_50 = arith.constant 0 : i32
    %dma_wait3A_51 = arith.constant 0 : i32
    %dma_wait3A_52 = arith.constant 0 : i32
    %dma_wait3A_53 = tpu.memref_slice %arg7[%dma_wait3A_49, %dma_wait3A_51, %dma_wait3A_52] : memref<4x100x64xf32, #tpu.memory_space<vmem>> -> memref<1x100x64xf32, #tpu.memory_space<vmem>>
    %dma_wait3A_54 = tpu.memref_squeeze %dma_wait3A_53 : memref<1x100x64xf32, #tpu.memory_space<vmem>> -> memref<100x64xf32, #tpu.memory_space<vmem>>
    %dma_wait3A_55 = arith.constant 0 : i32
    %dma_wait3A_56 = arith.constant 0 : i32
    %dma_wait3A_57 = tpu.memref_slice %arg5[%dma_wait3A_50, %dma_wait3A_55, %dma_wait3A_56] : memref<8192x100x64xf32, #tpu.memory_space<hbm>> -> memref<1x100x64xf32, #tpu.memory_space<hbm>>
    %dma_wait3A_58 = tpu.memref_squeeze %dma_wait3A_57 : memref<1x100x64xf32, #tpu.memory_space<hbm>> -> memref<100x64xf32, #tpu.memory_space<hbm>>
    %dma_wait3A_59 = arith.constant 0 : i32
    %dma_wait3A_60 = arith.constant 0 : i32
    %dma_wait3A_61 = tpu.memref_slice %arg5[%dma_wait3A_50, %dma_wait3A_59, %dma_wait3A_60] : memref<8192x100x64xf32, #tpu.memory_space<hbm>> -> memref<1x100x64xf32, #tpu.memory_space<hbm>>
    %dma_wait3A_62 = tpu.memref_squeeze %dma_wait3A_61 : memref<1x100x64xf32, #tpu.memory_space<hbm>> -> memref<100x64xf32, #tpu.memory_space<hbm>>
    %dma_wait3A_63 = arith.constant 0 : i32
    %dma_wait3A_64 = arith.constant 0 : i32
    %dma_wait3A_65 = tpu.memref_slice %arg7[%dma_wait3A_49, %dma_wait3A_63, %dma_wait3A_64] : memref<4x100x64xf32, #tpu.memory_space<vmem>> -> memref<1x100x64xf32, #tpu.memory_space<vmem>>
    %dma_wait3A_66 = tpu.memref_squeeze %dma_wait3A_65 : memref<1x100x64xf32, #tpu.memory_space<vmem>> -> memref<100x64xf32, #tpu.memory_space<vmem>>
    tpu.wait_dma2 semaphore(%arg16 : memref<!tpu.dma_semaphore, #tpu.memory_space<semaphore_mem>>) src(%dma_wait3A_66 : memref<100x64xf32, #tpu.memory_space<vmem>>) dst(%dma_wait3A_62 : memref<100x64xf32, #tpu.memory_space<hbm>>)
    return
  }
}

</mosaic_0001>

<sc_bundles>
// kernel: kernel.3.cloned.1.call-start
scs
__scs_entry_jumppad:
0x0: {  	(pc) =	sbr.rel $0x88, $3  }
0x1: {  	(tag) =	ssettag $0x0;
	lr =	simm.s32 $0x1  }
0x2: {  	[smem:$0x3F9E] =	sst lr;
	_ =	strace $0xD0000000  }
0x3: {  	_ = 	snop  }
0x4: {  	_ = 	snop  }
0x5: {  	_ = 	snop  }
0x6: {  	_ = 	snop  }
0x7: {  	_ = 	snop  }
__scs_overlays_trampoline_lowered:
0x8: {  	[smem:$0x3FAD] =	sst s0  }
0x9: {  	[smem:$0x3FAE] =	sst s1  }
0xa: {  	[smem:$0x3FAF] =	sst s2  }
0xb: {  	[smem:$0x3FB0] =	sst s3  }
0xc: {  	[smem:$0x3FB1] =	sst s4  }
0xd: {  	[smem:$0x3FB2] =	sst s5  }
0xe: {  	[smem:$0x3FB3] =	sst s6  }
0xf: {  	[smem:$0x3FB4] =	sst s7  }
0x10: {  	[smem:$0x3FB5] =	sst s8  }
0x11: {  	[smem:$0x3FB6] =	sst s9;
	s0 =	simm.s32 @!p0 $0x0  }
0x12: {  	s1 =	sld [smem:$0x3F9C];
	s0 =	simm.s32 @p0 $0x1  }
0x13: {  	[smem:$0x3FB7] =	sst s0;
	s0 =	simm.s32 @!p1 $0x0  }
0x14: {  	s2 =	sld [smem:$0x3F9B];
	s0 =	simm.s32 @p1 $0x1  }
0x15: {  	[smem:$0x3FB8] =	sst s0;
	s0 =	simm.s32 @!p2 $0x0  }
0x16: {  	s3 =	sld [smem:$0x3FDB];
	s0 =	simm.s32 @p2 $0x1  }
0x17: {  	s4 =	simm.s32 $0x1BF5;
	[smem:$0x3FBA] =	sst s0  }
0x18: {  	s0 =	sld [smem:$0x3F9D];
	_ =	swait.ge [sflag:s4], $0x0  }
0x19: {  	s7 =	sld [smem:$0x3F9E]  }
0x1a: {  	s8 =	sadd.s32 $0xFFFFE003, lr  }
0x1b: {  	s9 =	sadd.s32 $0xFFFFFEF7, lr;
	s5 =	simm.s32 $0xFFFFFFFF;
	p2 =	slt.u32 s8, $0xFFFFF086  }
0x1c: {  	p1 =	slt.u32 s9, $0xF7A;
	s5 =	simm.s32 @!p2 $0x0  }
0x1d: {  	s5 =	simm.s32 @p1 $0x1;
	p0 =	seq.s32 s7, s2  }
0x1e: {  	s7 =	smul.u32 @!p0 $0xF7A, s2;
	p2 =	seq.s32 @!p0 s5, $0x0  }
0x1f: {  	s9 =	smul.u32 $0xF7A, s1;
	s8 =	simm.s32 @!p0 $0x1BF5;
	p2 =	por !p2, p0  }
0x20: {  	[sflag:s8] =	ssyncset.s32 @!p0 $0xFFFFF086;
	s6 =	sadd.s32 @!p0 s3, s7;
	s7 =	simm.s32 @!p0 $0x108  }
0x21: {  	s3 =	sadd.s32 s3, s9;
	s6 =	sadd.s32 @!p0 $0x88, s6;
	s7 =	simm.s32 @p2 $0x1082  }
0x22: {  	[simem:s7], [sflag:s8] =	dma.local @!p0 [hbm:s6], $0xF7A  }
0x23: {  	s9 =	sor.u32 $0xD0000000, s2;
	s6 =	simm.s32 $0x108;
	_ =	swait.ge @!p0 [sflag:s8], $0x0  }
0x24: {  	s3 =	sadd.s32 $0x88, s3;
	s6 =	simm.s32 @!p1 $0x1082;
	[sflag:s4] =	ssyncset.s32 $0xFFFFF086  }
0x25: {  	[simem:s6], [sflag:s4] =	dma.local [hbm:s3], $0xF7A  }
0x26: {  	[smem:$0x3F9E] =	sst s1;
	(tag) =	ssettag s2;
	_ =	strace s9  }
0x27: {  	s1 =	sld [smem:$0x3FAE]  }
0x28: {  	s2 =	sld [smem:$0x3FAF]  }
0x29: {  	s4 =	sld [smem:$0x3FB1]  }
0x2a: {  	p0 =	seq.s32 s5, $0x0;
	s5 =	sld [smem:$0x3FB2]  }
0x2b: {  	s6 =	sld [smem:$0x3FB3]  }
0x2c: {  	s7 =	sld [smem:$0x3FB4]  }
0x2d: {  	s3 =	simm.s32 $0x108;
	s8 =	sld [smem:$0x3FB5]  }
0x2e: {  	s3 =	simm.s32 @!p0 $0x1082;
	s9 =	sld [smem:$0x3FB6]  }
0x2f: {  	lr =	sadd.s32 s0, s3;
	s0 =	sld [smem:$0x3FAD]  }
0x30: {  	s3 =	sld [smem:$0x3FB0]  }
0x31: {  	[smem:$0x3FB9] =	sst s10  }
0x32: {  	s10 =	sld [smem:$0x3FB7];
	_ =	sdelay $0x3  }
0x33: {  	p0 =	seq.s32 s10, $0x1;
	s10 =	sld [smem:$0x3FB9];
	_ =	sdelay $0x3  }
0x34: {  	[smem:$0x3FB9] =	sst s10  }
0x35: {  	s10 =	sld [smem:$0x3FB8];
	_ =	sdelay $0x3  }
0x36: {  	p1 =	seq.s32 s10, $0x1;
	s10 =	sld [smem:$0x3FB9];
	_ =	sdelay $0x3  }
0x37: {  	[smem:$0x3FB9] =	sst s10  }
0x38: {  	s10 =	sld [smem:$0x3FBA]  }
0x39: {  	_ = 	snop;
	(pc) =	sbr.ind lr, $3  }
0x3a: {  	_ = 	snop  }
0x3b: {  	_ = 	snop  }
0x3c: {  	p2 =	seq.s32 s10, $0x1;
	s10 =	sld [smem:$0x3FB9]  }
0x3d: {  	_ =	shalt  }
0x3e: {  	_ =	shalt  }
0x3f: {  	_ =	shalt  }
0x40: {  	_ =	shalt  }
0x41: {  	_ =	shalt  }
0x42: {  	_ =	shalt  }
0x43: {  	_ =	shalt  }
0x44: {  	_ =	shalt  }
0x45: {  	_ =	shalt  }
0x46: {  	_ =	shalt  }
0x47: {  	_ =	shalt  }
0x48: {  	_ =	shalt  }
0x49: {  	_ =	shalt  }
0x4a: {  	_ =	shalt  }
0x4b: {  	_ =	shalt  }
0x4c: {  	_ =	shalt  }
0x4d: {  	_ =	shalt  }
0x4e: {  	_ =	shalt  }
0x4f: {  	_ =	shalt  }
0x50: {  	_ =	shalt  }
0x51: {  	_ =	shalt  }
0x52: {  	_ =	shalt  }
0x53: {  	_ =	shalt  }
0x54: {  	_ =	shalt  }
0x55: {  	_ =	shalt  }
0x56: {  	_ =	shalt  }
0x57: {  	_ =	shalt  }
0x58: {  	_ =	shalt  }
0x59: {  	_ =	shalt  }
0x5a: {  	_ =	shalt  }
0x5b: {  	_ =	shalt  }
0x5c: {  	_ =	shalt  }
0x5d: {  	_ =	shalt  }
0x5e: {  	_ =	shalt  }
0x5f: {  	_ =	shalt  }
0x60: {  	_ =	shalt  }
0x61: {  	_ =	shalt  }
0x62: {  	_ =	shalt  }
0x63: {  	_ =	shalt  }
0x64: {  	_ =	shalt  }
0x65: {  	_ =	shalt  }
0x66: {  	_ =	shalt  }
0x67: {  	_ =	shalt  }
0x68: {  	_ =	shalt  }
0x69: {  	_ =	shalt  }
0x6a: {  	_ =	shalt  }
0x6b: {  	_ =	shalt  }
0x6c: {  	_ =	shalt  }
0x6d: {  	_ =	shalt  }
0x6e: {  	_ =	shalt  }
0x6f: {  	_ =	shalt  }
0x70: {  	_ =	shalt  }
0x71: {  	_ =	shalt  }
0x72: {  	_ =	shalt  }
0x73: {  	_ =	shalt  }
0x74: {  	_ =	shalt  }
0x75: {  	_ =	shalt  }
0x76: {  	_ =	shalt  }
0x77: {  	_ =	shalt  }
0x78: {  	_ =	shalt  }
0x79: {  	_ =	shalt  }
0x7a: {  	_ =	shalt  }
0x7b: {  	_ =	shalt  }
0x7c: {  	_ =	shalt  }
0x7d: {  	_ =	shalt  }
0x7e: {  	_ =	shalt  }
0x7f: {  	_ =	shalt  }
0x80: {  	_ =	shalt  }
0x81: {  	_ =	shalt  }
0x82: {  	_ =	shalt  }
0x83: {  	_ =	shalt  }
0x84: {  	_ =	shalt  }
0x85: {  	_ =	shalt  }
0x86: {  	_ =	shalt  }
0x87: {  	_ =	shalt  }
.Lfunc_end0:
.L_simem_size_0:
called_computation.1_lowered:
.L_overlay_start_0:
0x88: {  	s2 =	sld [smem:$0x3FD9]  }
0x89: {  	s3 =	sld [smem:$0x3FFE];
	_ =	sdelay $0x1  }
0x8a: {  	s1 =	srdreg.scid  }
0x8b: {  	s0 =	sand.u32 $0x1, s1  }
0x8c: {  	s17 =	sshll.u32 s0, $0xA;
	s2 =	sadd.s32 s3, s2  }
0x8d: {  	s2 =	sadd.s32 s2, s17  }
0x8e: {  	[smem:$0x3FC5] =	sst s2  }
0x8f: {  	_ = 	snop  }
0x90: {  	s2 =	sld [smem:$0x3FD0];
	(tm) =	ssettm $0x1  }
0x91: {  	s18 =	sld [smem:$0x3FFB];
	_ =	sdelay $0x3  }
0x92: {  	_ =	strace s18  }
0x93: {  	s3 =	sld [smem:$0x3FFC];
	_ =	sdelay $0x3  }
0x94: {  	_ =	strace s3  }
0x95: {  	s3 =	sld [smem:$0x3FFD];
	_ =	sdelay $0x3  }
0x96: {  	_ =	strace s3  }
0x97: {  	_ =	strace $0x8FFFFFFF  }
0x98: {  	s19 =	sld [smem:$0x3FDB];
	_ =	sdelay $0x1  }
0x99: {  	s4 =	simm.s32 $_scs_section_size  }
0x9a: {  	s5 =	simm.s32 $_size__tile_overlayer_lowered;
	s6 =	simm.s32 $_tile_overlayer_lowered  }
0x9b: {  	s22 =	simm.s32 $0x1BFF;
	s21 =	sshll.u32 s6, $0x1;
	s3 =	sadd.s32 s4, s19  }
0x9c: {  	s7 =	simm.s32 $0x0;
	s20 =	sshll.u32 s5, $0x1;
	s5 =	sadd.s32 s21, s3  }
0x9d: {  	[timem:s7], [sflag:s22] =	dma.local [hbm:s5], s20  }
0x9e: {  	_ =	swait.ge [sflag:s22], s20  }
0x9f: {  	s4 =	ssub.s32 $0x0, s20;
	[sflag:s22] =	ssyncset.done $0x0  }
0xa0: {  	[sflag:s22] =	ssyncadd.s32 s4;
	_ =	sdelay $0x1  }
0xa1: {  	s23 =	simm.s32 $0x1B8B  }
0xa2: {  	_ =	swait.ge [sflag:s23], $0x1  }
0xa3: {  	[sflag:s23] =	ssyncset.done $0x0  }
0xa4: {  	s25 =	simm.s32 $0x1B8E;
	s24 =	sld [smem:$0x3FFE];
	[sflag:s23] =	ssyncadd.s32 $0xFFFFFFFF  }
0xa5: {  	s26 =	simm.s32 $execute0_lowered;
	[smem:$0x3FD2] =	sst s25  }
0xa6: {  	s5 =	sshll.u32 s26, $0x1;
	_ =	strace $0x80000046;
	[dreg:$0x1] =	wrdreg $0xFFFFFFFF  }
0xa7: {  	s28 =	simm.s32 $_size_execute0_lowered;
	s3 =	sadd.s32 s3, s5;
	[dreg:$0x0] =	wrdreg $0x0  }
0xa8: {  	s5 =	sshll.u32 s28, $0x1;
	[dreg:$0x2] =	wrdreg s3  }
0xa9: {  	[dreg:$0x3] =	wrdreg s5  }
0xaa: {  	[dreg:$0x4] =	wrdreg $0xC0  }
0xab: {  	_ =	task [dreg:s7], $0x5FFFF  }
0xac: {  	[dreg:$0x1] =	wrdreg $0xFFFFFFFF  }
0xad: {  	[dreg:$0x0] =	wrdreg $0x60  }
0xae: {  	[dreg:$0x2] =	wrdreg s24  }
0xaf: {  	[dreg:$0x3] =	wrdreg s2  }
0xb0: {  	[dreg:$0x4] =	wrdreg $0x9  }
0xb1: {  	_ =	task.clear_ibuf [dreg:s7], $0x5FFFF;
	_ =	strace $0x90000046  }
0xb2: {  	s29 =	simm.s32 $0x9;
	_ =	strace $0x80000048  }
0xb3: {  	_ =	swait.ge [sflag:s29], $0x1  }
0xb4: {  	[sflag:s29] =	ssyncadd.s32 $0xFFFFFFFF  }
0xb5: {  	_ =	strace $0x90000048  }
0xb6: {  	_ =	sfence  }
0xb7: {  	s30 =	sld [smem:$0x0];
	_ =	sdelay $0x2  }
0xb8: {  	s31 =	sshll.u32 s1, $0xD;
	s1 =	sshrl.u32 s1, $0x2  }
0xb9: {  	s3 =	sand.u32 $0x4000, s31;
	s1 =	sadd.s32 s1, s30  }
0xba: {  	s0 =	sor.u32 s3, s0;
	s1 =	sshll.u32 s1, $0x11  }
0xbb: {  	s0 =	sor.u32 s1, s0  }
0xbc: {  	s0 =	sadd.s32 $0x8F2B, s0  }
0xbd: {  	[sflag:s0] =	ssyncadd.remote.s32 $0x1  }
0xbe: {  	_ =	sfence.sel $0xFFFF  }
0xbf: {  	[dreg:$0x0] =	wrdreg $0xFFFFFFFF;
	(pc) =	sbr.abs _section_cstart, $3  }
0xc0: {  	[dreg:$0x1] =	wrdreg $0xFFFFFFFF  }
0xc1: {  	_ =	task.clear_ibuf [dreg:s7], $0x2FFFF;
	_ =	strace $0x9FFFFFFF  }
0xc2: {  	(tm) =	ssettm $0x7FFFFFFF  }
0xc3: {  	_ =	shalt  }
tec
execute0_lowered:
.L_overlay_start_1:
0x0: {  	(tag) =	ssettag $0x1  }
0x1: {  	s0 =	srdreg.scid;
	s1 =	rddreg [dreg:$0x0]  }
0x2: {  	s4 =	stileid.u32;
	s2 =	rddreg [dreg:$0x1];
	s9 =	simm.s32 $0x9  }
0x3: {  	s11 =	simm.s32 $0x64;
	s12 =	simm.s32 $0x6800;
	s14 =	simm.s32 $0x8100  }
0x4: {  	s15 =	simm.s32 $0x9A00;
	s16 =	simm.s32 $0x1;
	s17 =	simm.s32 $0xB300  }
0x5: {  	s18 =	simm.s32 $0x2;
	s19 =	simm.s32 $0x5;
	s20 =	simm.s32 $0x3  }
0x6: {  	s21 =	simm.s32 $0x6;
	s22 =	simm.s32 $0x4;
	s0 =	sand.u32 $0x1, s0  }
0x7: {  	s23 =	simm.s32 $0x7;
	s24 =	simm.s32 $0x8;
	s3 =	sshll.u32 s0, $0x4  }
0x8: {  	s25 =	simm.s32 $0x0;
	s0 =	ssub.s32 $0x2, s0;
	s6 =	sor.u32 s4, s3  }
0x9: {  	s3 =	simm.s32 $0x0;
	s31 =	sshrl.u32 s0, $0x1;
	s4 =	smul.u32 $0xD00, s6  }
0xa: {  	s5 =	sadd.s32 $0xA00, s1;
	[smem:$0x7FF] =	sst s3;
	s0 =	ssub.s32 s0, s31  }
0xb: {  	s6 =	sshll.u32 s6, $0x8;
	_ =	strace $0x80000047;
	s7 =	sadd.s32 s4, s1  }
0xc: {  	s8 =	smax.u32 s0, $0x1;
	s4 =	sadd.s32 $0x1B200, s1;
	s7 =	sadd.s32 $0x1200, s7  }
.LBB2_1:
0xd: {  	[tilespmem:s3], [sflag:$0x9] =	stream.linear.gather [hbm4b:s7+s3], $0x6800, $0x38;
	[tilespmem:$0xFE00] =	vst v63  }
0xe: {  	_ =	swait.ge [sflag:s9], $0x6800  }
0xf: {  	[sflag:s9] =	ssyncset.done $0x0  }
0x10: {  	s0 =	simm.s32 $0xCC00;
	[sflag:s9] =	ssyncadd.s32 $0xFFFF9800  }
0x11: {  	[tilespmem:s0], [sflag:$0x9] =	stream.linear.gather [hbm4b:s5+s3], $0x3200, $0x38;
	[tilespmem:$0xFE00] =	vst v63  }
0x12: {  	_ =	swait.ge [sflag:s9], $0x3200  }
0x13: {  	[sflag:s9] =	ssyncset.done $0x0  }
0x14: {  	[sflag:s9] =	ssyncadd.s32 $0xFFFFCE00  }
0x15: {  	[tilespmem:s12], [sflag:$0x1] =	stream.indirect.gather [hbm4b:s4+s11], $0x40, s3, s11, $0xb8;
	[tilespmem:$0xFE00] =	vst v63  }
0x16: {  	s31 =	simm.s32 $0x68;
	s26 =	simm.s32 $0x0  }
0x17: {  	[tilespmem:s14], [sflag:$0x2] =	stream.indirect.gather [hbm4b:s4+s11], $0x40, s31, s11, $0xb8;
	[tilespmem:$0xFE00] =	vst v63  }
.LBB2_2:
0x18: {  	s30 =	sshll.u32 s26, $0x2;
	p0 =	seq.s32 s26, $0x0  }
0x19: {  	s0 =	simm.s32 @!p0 $0x7;
	s28 =	sor.u32 $0x2, s30  }
0x1a: {  	_ =	swait.ge @!p0 [sflag:s0], $0x1900;
	s1 =	smul.u32 $0x1A0, s28  }
0x1b: {  	[sflag:s0] =	ssyncset.done @!p0 $0x0  }
0x1c: {  	[sflag:s0] =	ssyncadd.s32 @!p0 $0xFFFFE700;
	s13 =	sshra.s32 s1, $0x2  }
0x1d: {  	[tilespmem:s15], [sflag:$0x3] =	stream.indirect.gather [hbm4b:s4+s11], $0x40, s13, s11, $0xb8;
	[tilespmem:$0xFE00] =	vst v63  }
0x1e: {  	_ =	swait.ge [sflag:s16], $0x1900  }
0x1f: {  	[sflag:s16] =	ssyncset.done $0x0  }
0x20: {  	s29 =	simm.s32 $0x6900;
	[sflag:s16] =	ssyncadd.s32 $0xFFFFE700  }
0x21: {  	s1 =	simm.s32 $0xCD00;
	v0 =	vld [tilespmem:s29+$0xC0]  }
0x22: {  	v1 =	vld [tilespmem:s1+$0xC0]  }
0x23: {  	v2 =	vld [tilespmem:s1+$0xFFFFFF00]  }
0x24: {  	v3 =	vld [tilespmem:s29+$0xFFFFFF40]  }
0x25: {  	v4 =	vld [tilespmem:s29+$0xFFFFFF80]  }
0x26: {  	v6 =	vld [tilespmem:s1+$0xFFFFFF80]  }
0x27: {  	v7 =	vld [tilespmem:s29+$0xFFFFFFC0]  }
0x28: {  	v8 =	vld [tilespmem:s1+$0xFFFFFFC0]  }
0x29: {  	v9 =	vld [tilespmem:s29+$0x0]  }
0x2a: {  	v10 =	vld [tilespmem:s1+$0x0]  }
0x2b: {  	v11 =	vld [tilespmem:s1+$0x40]  }
0x2c: {  	v60 =	vld [tilespmem:s29+$0xFFFFFFD0]  }
0x2d: {  	v13 =	vld [tilespmem:s29+$0x10]  }
0x2e: {  	v61 =	vld [tilespmem:s29+$0xFFFFFFE0]  }
0x2f: {  	v62 =	vld [tilespmem:s29+$0x60];
	v0 =	vadd.f32 v1, v0  }
0x30: {  	v1 =	vld [tilespmem:s1+$0xFFFFFF40]  }
0x31: {  	[tilespmem:s29+$0xC0] =	vst v0;
	v0 =	vld [tilespmem:s29+$0xD0]  }
0x32: {  	v5 =	vld [tilespmem:s1+$0xD0]  }
0x33: {  	v63 =	vld [tilespmem:s29+$0xFFFFFF30];
	v4 =	vadd.f32 v6, v4  }
0x34: {  	v6 =	vld [tilespmem:s1+$0x80]  }
0x35: {  	[tilespmem:s29+$0xFFFFFF80] =	vst v4;
	v4 =	vadd.f32 v10, v9;
	v10 =	vld [tilespmem:s29+$0xFFFFFF50];
	v1 =	vadd.f32 v1, v3  }
0x36: {  	v3 =	vld [tilespmem:s29+$0x80]  }
0x37: {  	[tilespmem:s29+$0xFFFFFF40] =	vst v1;
	v0 =	vadd.f32 v5, v0;
	v5 =	vld [tilespmem:s29+$0x40]  }
0x38: {  	v1 =	vadd.f32 v8, v7;
	v8 =	vld [tilespmem:s1+$0xFFFFFF50]  }
0x39: {  	[tilespmem:s29+$0xD0] =	vst v0;
	v0 =	vld [tilespmem:s29+$0xE0]  }
0x3a: {  	[tilespmem:s29+$0x0] =	vst v4;
	v12 =	vld [tilespmem:s1+$0xE0]  }
0x3b: {  	v9 =	vld [tilespmem:s1+$0x10]  }
0x3c: {  	v7 =	vld [tilespmem:s29+$0xFFFFFF00]  }
0x3d: {  	[tilespmem:s29+$0xFFFFFFC0] =	vst v1;
	v1 =	vld [tilespmem:s1+$0xFFFFFF90]  }
0x3e: {  	v4 =	vld [tilespmem:s1+$0xFFFFFFD0];
	v8 =	vadd.f32 v8, v10  }
0x3f: {  	v5 =	vadd.f32 v11, v5;
	v11 =	vld [tilespmem:s29+$0xFFFFFF90];
	v0 =	vadd.f32 v12, v0  }
0x40: {  	v10 =	vld [tilespmem:s29+$0x90];
	[tilespmem:s29+$0xFFFFFF50] =	vst v8  }
0x41: {  	v8 =	vld [tilespmem:s1+$0xFFFFFF60];
	[tilespmem:s29+$0xE0] =	vst v0;
	v0 =	vadd.f32 v2, v7  }
0x42: {  	[tilespmem:s29+$0x40] =	vst v5;
	v7 =	vld [tilespmem:s29+$0xF0];
	v2 =	vadd.f32 v6, v3  }
0x43: {  	v5 =	vld [tilespmem:s1+$0xF0];
	[tilespmem:s29+$0xFFFFFF00] =	vst v0  }
0x44: {  	v1 =	vadd.f32 v1, v11;
	[tilespmem:s29+$0x80] =	vst v2;
	v2 =	vld [tilespmem:s29+$0xFFFFFF10]  }
0x45: {  	v3 =	vld [tilespmem:s1+$0xFFFFFF10]  }
0x46: {  	[tilespmem:s29+$0xFFFFFF90] =	vst v1;
	v1 =	vadd.f32 v9, v13;
	v6 =	vld [tilespmem:s1+$0x90]  }
0x47: {  	v4 =	vadd.f32 v4, v60;
	v0 =	vld [tilespmem:s1+$0x50]  }
0x48: {  	v9 =	vld [tilespmem:s1+$0xFFFFFFA0];
	[tilespmem:s29+$0x10] =	vst v1  }
0x49: {  	[tilespmem:s29+$0xFFFFFFD0] =	vst v4;
	v4 =	vld [tilespmem:s1+$0x20]  }
0x4a: {  	v2 =	vadd.f32 v3, v2;
	v3 =	vld [tilespmem:s29+$0x50]  }
0x4b: {  	v1 =	vadd.f32 v6, v10;
	v10 =	vld [tilespmem:s29+$0xFFFFFFA0]  }
0x4c: {  	[tilespmem:s29+$0xFFFFFF10] =	vst v2;
	v2 =	vld [tilespmem:s29+$0xFFFFFF20]  }
0x4d: {  	v11 =	vld [tilespmem:s1+$0xFFFFFF20]  }
0x4e: {  	v5 =	vadd.f32 v5, v7;
	[tilespmem:s29+$0x90] =	vst v1;
	v1 =	vld [tilespmem:s29+$0xFFFFFF60]  }
0x4f: {  	v7 =	vld [tilespmem:s29+$0x30]  }
0x50: {  	[tilespmem:s29+$0xF0] =	vst v5;
	v5 =	vld [tilespmem:s29+$0x70]  }
0x51: {  	v6 =	vld [tilespmem:s1+$0xA0]  }
0x52: {  	v0 =	vadd.f32 v0, v3;
	v3 =	vld [tilespmem:s1+$0xFFFFFFE0];
	v2 =	vadd.f32 v11, v2  }
0x53: {  	v1 =	vadd.f32 v8, v1;
	v8 =	vadd.f32 v9, v10;
	v9 =	vld [tilespmem:s29+$0xFFFFFFB0]  }
0x54: {  	[tilespmem:s29+$0xFFFFFF20] =	vst v2;
	v2 =	vld [tilespmem:s29+$0xA0]  }
0x55: {  	[tilespmem:s29+$0x50] =	vst v0;
	v11 =	vld [tilespmem:s29+$0x20]  }
0x56: {  	v0 =	vld [tilespmem:s1+$0x60];
	[tilespmem:s29+$0xFFFFFF60] =	vst v1  }
0x57: {  	[tilespmem:s29+$0xFFFFFFA0] =	vst v8;
	v8 =	vld [tilespmem:s29+$0xFFFFFFF0]  }
0x58: {  	v1 =	vadd.f32 v3, v61;
	v14 =	vld [tilespmem:s1+$0xFFFFFF70]  }
0x59: {  	v10 =	vld [tilespmem:s1+$0xFFFFFF30];
	v6 =	vadd.f32 v6, v2  }
0x5a: {  	[tilespmem:s29+$0xFFFFFFE0] =	vst v1;
	v3 =	vadd.f32 v4, v11;
	v4 =	vld [tilespmem:s1+$0xFFFFFFB0]  }
0x5b: {  	v0 =	vadd.f32 v0, v62;
	[tilespmem:s29+$0xA0] =	vst v6;
	v6 =	vld [tilespmem:s29+$0xFFFFFF70]  }
0x5c: {  	v1 =	vld [tilespmem:s1+$0xFFFFFFF0];
	[tilespmem:s29+$0x20] =	vst v3  }
0x5d: {  	[tilespmem:s29+$0x60] =	vst v0;
	v2 =	vld [tilespmem:s1+$0x30]  }
0x5e: {  	v3 =	vld [tilespmem:s1+$0x70];
	v10 =	vadd.f32 v10, v63  }
0x5f: {  	v0 =	vld [tilespmem:s1+$0xB0]  }
0x60: {  	s31 =	simm.s32 $0x0;
	s0 =	simm.s32 $0x6B00;
	[tilespmem:s29+$0xFFFFFF30] =	vst v10;
	v10 =	vadd.f32 v14, v6;
	v6 =	vld [tilespmem:s29+$0xB0]  }
.LBB2_3:
0x61: {  	v11 =	vld [tilespmem:s0+$0xC0];
	v4 =	vadd.f32 v4, v9;
	s1 =	sadd.s32 $0x200, s1  }
0x62: {  	s31 =	sadd.s32 $0x8, s31;
	v9 =	vld [tilespmem:s1+$0xC0];
	[tilespmem:s29+$0xFFFFFF70] =	vst v10;
	v1 =	vadd.f32 v1, v8  }
0x63: {  	p1 =	slt.u32 s31, $0x58;
	v8 =	vld [tilespmem:s1+$0xFFFFFF00];
	[tilespmem:s29+$0xFFFFFFB0] =	vst v4;
	v2 =	vadd.f32 v2, v7  }
0x64: {  	v4 =	vld [tilespmem:s0+$0xFFFFFF40];
	[tilespmem:s29+$0xFFFFFFF0] =	vst v1;
	v1 =	vadd.f32 v3, v5  }
0x65: {  	v3 =	vld [tilespmem:s1+$0xFFFFFF40];
	[tilespmem:s29+$0x30] =	vst v2;
	v0 =	vadd.f32 v0, v6  }
0x66: {  	v2 =	vld [tilespmem:s0+$0xFFFFFF80];
	[tilespmem:s29+$0x70] =	vst v1  }
0x67: {  	v1 =	vld [tilespmem:s1+$0xFFFFFF80];
	v5 =	vadd.f32 v9, v11;
	[tilespmem:s29+$0xB0] =	vst v0;
	s29 =	smov.u32 s0  }
0x68: {  	v0 =	vld [tilespmem:s0+$0xFFFFFFC0]  }
0x69: {  	[tilespmem:s0+$0xC0] =	vst v5;
	v5 =	vld [tilespmem:s0+$0xD0]  }
0x6a: {  	v3 =	vadd.f32 v3, v4;
	v4 =	vld [tilespmem:s1+$0xD0]  }
0x6b: {  	v6 =	vld [tilespmem:s1+$0xFFFFFFC0]  }
0x6c: {  	[tilespmem:s0+$0xFFFFFF40] =	vst v3;
	v1 =	vadd.f32 v1, v2;
	v2 =	vld [tilespmem:s0+$0x0]  }
0x6d: {  	v3 =	vld [tilespmem:s1+$0x0]  }
0x6e: {  	[tilespmem:s0+$0xFFFFFF80] =	vst v1;
	v1 =	vld [tilespmem:s0+$0x40]  }
0x6f: {  	v7 =	vld [tilespmem:s1+$0x40];
	v4 =	vadd.f32 v4, v5  }
0x70: {  	v0 =	vadd.f32 v6, v0;
	v5 =	vld [tilespmem:s0+$0x80]  }
0x71: {  	[tilespmem:s0+$0xD0] =	vst v4;
	v4 =	vld [tilespmem:s0+$0xE0]  }
0x72: {  	[tilespmem:s0+$0xFFFFFFC0] =	vst v0;
	v0 =	vadd.f32 v3, v2;
	v2 =	vld [tilespmem:s1+$0xE0]  }
0x73: {  	v3 =	vld [tilespmem:s1+$0x80]  }
0x74: {  	v6 =	vld [tilespmem:s0+$0xFFFFFF00];
	[tilespmem:s0+$0x0] =	vst v0;
	v0 =	vadd.f32 v7, v1  }
0x75: {  	v1 =	vld [tilespmem:s1+$0xFFFFFF50]  }
0x76: {  	v7 =	vld [tilespmem:s1+$0xFFFFFF90];
	[tilespmem:s0+$0x40] =	vst v0  }
0x77: {  	v0 =	vld [tilespmem:s1+$0xFFFFFFD0];
	v2 =	vadd.f32 v2, v4  }
0x78: {  	v4 =	vld [tilespmem:s1+$0x10];
	v3 =	vadd.f32 v3, v5  }
0x79: {  	v5 =	vadd.f32 v8, v6;
	[tilespmem:s0+$0xE0] =	vst v2;
	v2 =	vld [tilespmem:s0+$0xF0]  }
0x7a: {  	[tilespmem:s0+$0x80] =	vst v3;
	v3 =	vld [tilespmem:s1+$0xF0]  }
0x7b: {  	[tilespmem:s0+$0xFFFFFF00] =	vst v5;
	v5 =	vld [tilespmem:s1+$0x50]  }
0x7c: {  	v6 =	vld [tilespmem:s1+$0xFFFFFF10]  }
0x7d: {  	v8 =	vld [tilespmem:s1+$0x90]  }
0x7e: {  	v9 =	vld [tilespmem:s0+$0xFFFFFF10]  }
0x7f: {  	v10 =	vld [tilespmem:s0+$0xFFFFFF50];
	v2 =	vadd.f32 v3, v2  }
0x80: {  	v3 =	vld [tilespmem:s0+$0xFFFFFF90]  }
0x81: {  	s10 =	simm.s32 $0x0;
	v11 =	vld [tilespmem:s0+$0xFFFFFFD0];
	[tilespmem:s0+$0xF0] =	vst v2  }
0x82: {  	v2 =	vld [tilespmem:s0+$0x10]  }
0x83: {  	v6 =	vadd.f32 v6, v9;
	v9 =	vld [tilespmem:s0+$0x50]  }
0x84: {  	v1 =	vadd.f32 v1, v10;
	v10 =	vld [tilespmem:s0+$0x90]  }
0x85: {  	[tilespmem:s0+$0xFFFFFF10] =	vst v6;
	v6 =	vld [tilespmem:s0+$0xFFFFFF20];
	v3 =	vadd.f32 v7, v3  }
0x86: {  	v7 =	vld [tilespmem:s1+$0xFFFFFF20];
	[tilespmem:s0+$0xFFFFFF50] =	vst v1;
	v0 =	vadd.f32 v0, v11  }
0x87: {  	v1 =	vld [tilespmem:s1+$0xFFFFFF60];
	[tilespmem:s0+$0xFFFFFF90] =	vst v3;
	v2 =	vadd.f32 v4, v2  }
0x88: {  	v3 =	vld [tilespmem:s1+$0xFFFFFFA0];
	[tilespmem:s0+$0xFFFFFFD0] =	vst v0;
	v0 =	vadd.f32 v5, v9  }
0x89: {  	v4 =	vld [tilespmem:s1+$0xFFFFFFE0];
	[tilespmem:s0+$0x10] =	vst v2;
	v2 =	vadd.f32 v8, v10  }
0x8a: {  	v5 =	vld [tilespmem:s1+$0x20];
	[tilespmem:s0+$0x50] =	vst v0  }
0x8b: {  	v0 =	vadd.f32 v7, v6;
	v6 =	vld [tilespmem:s1+$0x60];
	[tilespmem:s0+$0x90] =	vst v2  }
0x8c: {  	v2 =	vld [tilespmem:s1+$0xA0]  }
0x8d: {  	[tilespmem:s0+$0xFFFFFF20] =	vst v0;
	v0 =	vld [tilespmem:s0+$0xFFFFFF60]  }
0x8e: {  	v7 =	vld [tilespmem:s0+$0xFFFFFFA0]  }
0x8f: {  	v8 =	vld [tilespmem:s0+$0xFFFFFFE0]  }
0x90: {  	v9 =	vld [tilespmem:s0+$0x20]  }
0x91: {  	v10 =	vld [tilespmem:s0+$0x60]  }
0x92: {  	v0 =	vadd.f32 v1, v0;
	v11 =	vld [tilespmem:s0+$0xA0]  }
0x93: {  	v12 =	vld [tilespmem:s1+$0xFFFFFF30];
	v1 =	vadd.f32 v3, v7  }
0x94: {  	v3 =	vld [tilespmem:s0+$0xFFFFFF30];
	[tilespmem:s0+$0xFFFFFF60] =	vst v0;
	v0 =	vadd.f32 v4, v8  }
0x95: {  	v13 =	vld [tilespmem:s1+$0xFFFFFF70];
	[tilespmem:s0+$0xFFFFFFA0] =	vst v1;
	v5 =	vadd.f32 v5, v9  }
0x96: {  	v4 =	vld [tilespmem:s1+$0xFFFFFFB0];
	[tilespmem:s0+$0xFFFFFFE0] =	vst v0;
	v0 =	vadd.f32 v6, v10  }
0x97: {  	v1 =	vld [tilespmem:s1+$0xFFFFFFF0];
	[tilespmem:s0+$0x20] =	vst v5;
	v5 =	vadd.f32 v2, v11  }
0x98: {  	v2 =	vld [tilespmem:s1+$0x30];
	[tilespmem:s0+$0x60] =	vst v0  }
0x99: {  	v6 =	vadd.f32 v12, v3;
	v3 =	vld [tilespmem:s1+$0x70];
	[tilespmem:s0+$0xA0] =	vst v5  }
0x9a: {  	v0 =	vld [tilespmem:s1+$0xB0]  }
0x9b: {  	[tilespmem:s0+$0xFFFFFF30] =	vst v6;
	v6 =	vld [tilespmem:s0+$0xFFFFFF70]  }
.Ltmp0:
0x9c: {  	v9 =	vld [tilespmem:s0+$0xFFFFFFB0];
	(pc) =	sbr.rel @p1 .LBB2_3-.Ltmp0, $4  }
0x9d: {  	v8 =	vld [tilespmem:s0+$0xFFFFFFF0]  }
0x9e: {  	v7 =	vld [tilespmem:s0+$0x30]  }
0x9f: {  	v5 =	vld [tilespmem:s0+$0x70]  }
0xa0: {  	s0 =	sadd.s32 $0x200, s0;
	v10 =	vadd.f32 v13, v6;
	v6 =	vld [tilespmem:s29+$0xB0]  }
0xa1: {  	v4 =	vadd.f32 v4, v9  }
0xa2: {  	[tilespmem:s29+$0xFFFFFF70] =	vst v10;
	v1 =	vadd.f32 v1, v8  }
0xa3: {  	[tilespmem:s29+$0xFFFFFFB0] =	vst v4;
	v2 =	vadd.f32 v2, v7  }
0xa4: {  	[tilespmem:s29+$0xFFFFFFF0] =	vst v1;
	v63 =	vadd.f32 v3, v5  }
0xa5: {  	[tilespmem:s29+$0x30] =	vst v2;
	v0 =	vadd.f32 v0, v6  }
0xa6: {  	[tilespmem:s29+$0x70] =	vst v63  }
0xa7: {  	[tilespmem:s29+$0xB0] =	vst v0  }
.LBB2_5:
0xa8: {  	s0 =	sshra.s32 s10, $0x2  }
0xa9: {  	v0 =	vld [tilespmem:s0+$0x8000]  }
0xaa: {  	v1 =	vld [tilespmem:s0+$0xE400]  }
0xab: {  	v2 =	vld [tilespmem:s0+$0x8010]  }
0xac: {  	v3 =	vld [tilespmem:s0+$0xE410]  }
0xad: {  	v4 =	vld [tilespmem:s0+$0x8020]  }
0xae: {  	v5 =	vld [tilespmem:s0+$0xE420]  }
0xaf: {  	v6 =	vld [tilespmem:s0+$0x8030]  }
0xb0: {  	v7 =	vld [tilespmem:s0+$0xE430];
	_ =	sdelay $0x1  }
0xb1: {  	p1 =	sne.s32 s10, $0x300;
	v0 =	vadd.f32 v1, v0  }
.Ltmp1:
0xb2: {  	v61 =	vadd.f32 v3, v2;
	(pc) =	sbr.rel @p1 .LBB2_5-.Ltmp1, $4  }
0xb3: {  	v62 =	vadd.f32 v5, v4;
	[tilespmem:s0+$0x8000] =	vst v0  }
0xb4: {  	v63 =	vadd.f32 v7, v6;
	[tilespmem:s0+$0x8010] =	vst v61  }
0xb5: {  	[tilespmem:s0+$0x8020] =	vst v62  }
0xb6: {  	s10 =	sadd.s32 $0x100, s10;
	[tilespmem:s0+$0x8030] =	vst v63  }
0xb7: {  	s0 =	sadd.s32 s6, s30  }
0xb8: {  	s0 =	smul.u32 $0x320, s0;
	_ =	sdelay $0x1  }
0xb9: {  	s0 =	sadd.s32 s2, s0  }
0xba: {  	[hbm4b:s0+s3] =	stream.linear.scatter [tilespmem:s12], [sflag:$0x5], $0x1900, $0x38;
	[tilespmem:$0xFE00] =	vst v63  }
0xbb: {  	s29 =	sor.u32 $0x3, s30;
	s0 =	simm.s32 @!p0 $0x8  }
0xbc: {  	s1 =	smul.u32 $0x1A0, s29;
	_ =	swait.ge @!p0 [sflag:s0], $0x1900  }
0xbd: {  	[sflag:s0] =	ssyncset.done @!p0 $0x0  }
0xbe: {  	s13 =	sshra.s32 s1, $0x2;
	[sflag:s0] =	ssyncadd.s32 @!p0 $0xFFFFE700  }
0xbf: {  	[tilespmem:s17], [sflag:$0x4] =	stream.indirect.gather [hbm4b:s4+s11], $0x40, s13, s11, $0xb8;
	[tilespmem:$0xFE00] =	vst v63  }
0xc0: {  	_ =	swait.ge [sflag:s18], $0x1900  }
0xc1: {  	[sflag:s18] =	ssyncset.done $0x0  }
0xc2: {  	s31 =	simm.s32 $0x82F0;
	[sflag:s18] =	ssyncadd.s32 $0xFFFFE700  }
0xc3: {  	s1 =	simm.s32 $0xE6F0;
	v0 =	vld [tilespmem:s31+$0xFFFFFFD0]  }
0xc4: {  	v1 =	vld [tilespmem:s1+$0xFFFFFFD0]  }
0xc5: {  	v2 =	vld [tilespmem:s1+$0xFFFFFE10]  }
0xc6: {  	v3 =	vld [tilespmem:s31+$0xFFFFFE50]  }
0xc7: {  	v4 =	vld [tilespmem:s31+$0xFFFFFE90]  }
0xc8: {  	v6 =	vld [tilespmem:s1+$0xFFFFFE90]  }
0xc9: {  	v7 =	vld [tilespmem:s31+$0xFFFFFED0]  }
0xca: {  	v8 =	vld [tilespmem:s1+$0xFFFFFED0]  }
0xcb: {  	v9 =	vld [tilespmem:s31+$0xFFFFFF10]  }
0xcc: {  	v10 =	vld [tilespmem:s1+$0xFFFFFF10]  }
0xcd: {  	v11 =	vld [tilespmem:s1+$0xFFFFFF50]  }
0xce: {  	v60 =	vld [tilespmem:s31+$0xFFFFFEE0]  }
0xcf: {  	v13 =	vld [tilespmem:s31+$0xFFFFFF20]  }
0xd0: {  	v61 =	vld [tilespmem:s31+$0xFFFFFEF0]  }
0xd1: {  	v62 =	vld [tilespmem:s31+$0xFFFFFF70];
	v0 =	vadd.f32 v1, v0  }
0xd2: {  	v1 =	vld [tilespmem:s1+$0xFFFFFE50]  }
0xd3: {  	[tilespmem:s31+$0xFFFFFFD0] =	vst v0;
	v0 =	vld [tilespmem:s31+$0xFFFFFFE0]  }
0xd4: {  	v5 =	vld [tilespmem:s1+$0xFFFFFFE0]  }
0xd5: {  	v63 =	vld [tilespmem:s31+$0xFFFFFE40];
	v4 =	vadd.f32 v6, v4  }
0xd6: {  	v6 =	vld [tilespmem:s1+$0xFFFFFF90]  }
0xd7: {  	[tilespmem:s31+$0xFFFFFE90] =	vst v4;
	v4 =	vadd.f32 v10, v9;
	v10 =	vld [tilespmem:s31+$0xFFFFFE60];
	v1 =	vadd.f32 v1, v3  }
0xd8: {  	v3 =	vld [tilespmem:s31+$0xFFFFFF90]  }
0xd9: {  	[tilespmem:s31+$0xFFFFFE50] =	vst v1;
	v0 =	vadd.f32 v5, v0;
	v5 =	vld [tilespmem:s31+$0xFFFFFF50]  }
0xda: {  	v1 =	vadd.f32 v8, v7;
	v8 =	vld [tilespmem:s1+$0xFFFFFE60]  }
0xdb: {  	[tilespmem:s31+$0xFFFFFFE0] =	vst v0;
	v0 =	vld [tilespmem:s31+$0xFFFFFFF0]  }
0xdc: {  	[tilespmem:s31+$0xFFFFFF10] =	vst v4;
	v12 =	vld [tilespmem:s1+$0xFFFFFFF0]  }
0xdd: {  	v9 =	vld [tilespmem:s1+$0xFFFFFF20]  }
0xde: {  	v7 =	vld [tilespmem:s31+$0xFFFFFE10]  }
0xdf: {  	[tilespmem:s31+$0xFFFFFED0] =	vst v1;
	v1 =	vld [tilespmem:s1+$0xFFFFFEA0]  }
0xe0: {  	v4 =	vld [tilespmem:s1+$0xFFFFFEE0];
	v8 =	vadd.f32 v8, v10  }
0xe1: {  	v5 =	vadd.f32 v11, v5;
	v11 =	vld [tilespmem:s31+$0xFFFFFEA0];
	v0 =	vadd.f32 v12, v0  }
0xe2: {  	v10 =	vld [tilespmem:s31+$0xFFFFFFA0];
	[tilespmem:s31+$0xFFFFFE60] =	vst v8  }
0xe3: {  	v8 =	vld [tilespmem:s1+$0xFFFFFE70];
	[tilespmem:s31+$0xFFFFFFF0] =	vst v0;
	v0 =	vadd.f32 v2, v7  }
0xe4: {  	[tilespmem:s31+$0xFFFFFF50] =	vst v5;
	v7 =	vld [tilespmem:s31+$0x0];
	v2 =	vadd.f32 v6, v3  }
0xe5: {  	v5 =	vld [tilespmem:s1+$0x0];
	[tilespmem:s31+$0xFFFFFE10] =	vst v0  }
0xe6: {  	v1 =	vadd.f32 v1, v11;
	[tilespmem:s31+$0xFFFFFF90] =	vst v2;
	v2 =	vld [tilespmem:s31+$0xFFFFFE20]  }
0xe7: {  	v3 =	vld [tilespmem:s1+$0xFFFFFE20]  }
0xe8: {  	[tilespmem:s31+$0xFFFFFEA0] =	vst v1;
	v1 =	vadd.f32 v9, v13;
	v6 =	vld [tilespmem:s1+$0xFFFFFFA0]  }
0xe9: {  	v4 =	vadd.f32 v4, v60;
	v0 =	vld [tilespmem:s1+$0xFFFFFF60]  }
0xea: {  	v9 =	vld [tilespmem:s1+$0xFFFFFEB0];
	[tilespmem:s31+$0xFFFFFF20] =	vst v1  }
0xeb: {  	[tilespmem:s31+$0xFFFFFEE0] =	vst v4;
	v4 =	vld [tilespmem:s1+$0xFFFFFF30]  }
0xec: {  	v5 =	vadd.f32 v5, v7;
	v2 =	vadd.f32 v3, v2;
	v3 =	vld [tilespmem:s31+$0xFFFFFF60]  }
0xed: {  	v1 =	vadd.f32 v6, v10;
	v10 =	vld [tilespmem:s31+$0xFFFFFEB0]  }
0xee: {  	[tilespmem:s31+$0x0] =	vst v5;
	v5 =	vld [tilespmem:s31+$0xFFFFFF80]  }
0xef: {  	[tilespmem:s31+$0xFFFFFFA0] =	vst v1;
	v1 =	vld [tilespmem:s31+$0xFFFFFE70]  }
0xf0: {  	[tilespmem:s31+$0xFFFFFE20] =	vst v2;
	v2 =	vld [tilespmem:s31+$0xFFFFFE30]  }
0xf1: {  	v11 =	vld [tilespmem:s1+$0xFFFFFE30]  }
0xf2: {  	v6 =	vld [tilespmem:s1+$0xFFFFFFB0];
	v0 =	vadd.f32 v0, v3  }
0xf3: {  	v3 =	vld [tilespmem:s1+$0xFFFFFEF0]  }
0xf4: {  	[tilespmem:s31+$0xFFFFFF60] =	vst v0;
	v1 =	vadd.f32 v8, v1;
	v8 =	vadd.f32 v9, v10;
	v9 =	vld [tilespmem:s31+$0xFFFFFEC0]  }
0xf5: {  	v0 =	vld [tilespmem:s1+$0xFFFFFF70]  }
0xf6: {  	v2 =	vadd.f32 v11, v2;
	v11 =	vld [tilespmem:s31+$0xFFFFFF30];
	[tilespmem:s31+$0xFFFFFE70] =	vst v1  }
0xf7: {  	[tilespmem:s31+$0xFFFFFEB0] =	vst v8;
	v8 =	vld [tilespmem:s31+$0xFFFFFF00]  }
0xf8: {  	[tilespmem:s31+$0xFFFFFE30] =	vst v2;
	v2 =	vld [tilespmem:s31+$0xFFFFFFB0]  }
0xf9: {  	v1 =	vadd.f32 v3, v61;
	v14 =	vld [tilespmem:s1+$0xFFFFFE80]  }
0xfa: {  	v10 =	vld [tilespmem:s1+$0xFFFFFE40]  }
0xfb: {  	[tilespmem:s31+$0xFFFFFEF0] =	vst v1;
	v3 =	vadd.f32 v4, v11;
	v4 =	vld [tilespmem:s1+$0xFFFFFEC0]  }
0xfc: {  	v0 =	vadd.f32 v0, v62;
	v1 =	vld [tilespmem:s1+$0xFFFFFF00]  }
0xfd: {  	v11 =	vld [tilespmem:s31+$0xFFFFFE80];
	[tilespmem:s31+$0xFFFFFF30] =	vst v3  }
0xfe: {  	v6 =	vadd.f32 v6, v2;
	[tilespmem:s31+$0xFFFFFF70] =	vst v0;
	v2 =	vld [tilespmem:s1+$0xFFFFFF40]  }
0xff: {  	v3 =	vld [tilespmem:s1+$0xFFFFFF80]  }
0x100: {  	v7 =	vadd.f32 v10, v63;
	[tilespmem:s31+$0xFFFFFFB0] =	vst v6;
	v6 =	vld [tilespmem:s31+$0xFFFFFF40]  }
0x101: {  	v0 =	vld [tilespmem:s1+$0xFFFFFFC0]  }
0x102: {  	s30 =	sor.u32 $0x1, s30;
	s10 =	simm.s32 $0x84F0;
	s0 =	simm.s32 $0x0;
	[tilespmem:s31+$0xFFFFFE40] =	vst v7;
	v10 =	vadd.f32 v14, v11;
	v7 =	vld [tilespmem:s31+$0xFFFFFFC0]  }
.LBB2_7:
0x103: {  	v11 =	vld [tilespmem:s10+$0xFFFFFFD0];
	v4 =	vadd.f32 v4, v9;
	s1 =	sadd.s32 $0x200, s1  }
0x104: {  	s0 =	sadd.s32 $0x8, s0;
	v9 =	vld [tilespmem:s1+$0xFFFFFFD0];
	[tilespmem:s31+$0xFFFFFE80] =	vst v10;
	v1 =	vadd.f32 v1, v8  }
0x105: {  	p0 =	slt.u32 s0, $0x58;
	v8 =	vld [tilespmem:s1+$0xFFFFFE10];
	[tilespmem:s31+$0xFFFFFEC0] =	vst v4;
	v2 =	vadd.f32 v2, v6  }
0x106: {  	v4 =	vld [tilespmem:s10+$0xFFFFFE50];
	[tilespmem:s31+$0xFFFFFF00] =	vst v1;
	v1 =	vadd.f32 v3, v5  }
0x107: {  	v3 =	vld [tilespmem:s1+$0xFFFFFE50];
	[tilespmem:s31+$0xFFFFFF40] =	vst v2;
	v0 =	vadd.f32 v0, v7  }
0x108: {  	v2 =	vld [tilespmem:s10+$0xFFFFFE90];
	[tilespmem:s31+$0xFFFFFF80] =	vst v1  }
0x109: {  	v1 =	vld [tilespmem:s1+$0xFFFFFE90];
	v5 =	vadd.f32 v9, v11;
	[tilespmem:s31+$0xFFFFFFC0] =	vst v0;
	s31 =	smov.u32 s10  }
0x10a: {  	v0 =	vld [tilespmem:s10+$0xFFFFFED0]  }
0x10b: {  	[tilespmem:s10+$0xFFFFFFD0] =	vst v5;
	v5 =	vld [tilespmem:s10+$0xFFFFFFE0]  }
0x10c: {  	v3 =	vadd.f32 v3, v4;
	v4 =	vld [tilespmem:s1+$0xFFFFFFE0]  }
0x10d: {  	v6 =	vld [tilespmem:s1+$0xFFFFFED0]  }
0x10e: {  	[tilespmem:s10+$0xFFFFFE50] =	vst v3;
	v1 =	vadd.f32 v1, v2;
	v2 =	vld [tilespmem:s10+$0xFFFFFF10]  }
0x10f: {  	v3 =	vld [tilespmem:s1+$0xFFFFFF10]  }
0x110: {  	[tilespmem:s10+$0xFFFFFE90] =	vst v1;
	v1 =	vld [tilespmem:s10+$0xFFFFFF50]  }
0x111: {  	v7 =	vld [tilespmem:s1+$0xFFFFFF50];
	v4 =	vadd.f32 v4, v5  }
0x112: {  	v0 =	vadd.f32 v6, v0;
	v5 =	vld [tilespmem:s10+$0xFFFFFF90]  }
0x113: {  	[tilespmem:s10+$0xFFFFFFE0] =	vst v4;
	v4 =	vld [tilespmem:s10+$0xFFFFFFF0]  }
0x114: {  	[tilespmem:s10+$0xFFFFFED0] =	vst v0;
	v0 =	vadd.f32 v3, v2;
	v2 =	vld [tilespmem:s1+$0xFFFFFFF0]  }
0x115: {  	v3 =	vld [tilespmem:s1+$0xFFFFFF90]  }
0x116: {  	v6 =	vld [tilespmem:s10+$0xFFFFFE10];
	[tilespmem:s10+$0xFFFFFF10] =	vst v0;
	v0 =	vadd.f32 v7, v1  }
0x117: {  	v1 =	vld [tilespmem:s1+$0xFFFFFE60]  }
0x118: {  	v7 =	vld [tilespmem:s1+$0xFFFFFEA0];
	[tilespmem:s10+$0xFFFFFF50] =	vst v0  }
0x119: {  	v0 =	vld [tilespmem:s1+$0xFFFFFEE0];
	v2 =	vadd.f32 v2, v4  }
0x11a: {  	v4 =	vld [tilespmem:s1+$0xFFFFFF20];
	v3 =	vadd.f32 v3, v5  }
0x11b: {  	v5 =	vadd.f32 v8, v6;
	[tilespmem:s10+$0xFFFFFFF0] =	vst v2;
	v2 =	vld [tilespmem:s10+$0x0]  }
0x11c: {  	[tilespmem:s10+$0xFFFFFF90] =	vst v3;
	v3 =	vld [tilespmem:s1+$0x0]  }
0x11d: {  	[tilespmem:s10+$0xFFFFFE10] =	vst v5;
	v5 =	vld [tilespmem:s1+$0xFFFFFF60]  }
0x11e: {  	v6 =	vld [tilespmem:s1+$0xFFFFFE20]  }
0x11f: {  	v8 =	vld [tilespmem:s1+$0xFFFFFFA0]  }
0x120: {  	v9 =	vld [tilespmem:s10+$0xFFFFFE20]  }
0x121: {  	v10 =	vld [tilespmem:s10+$0xFFFFFE60];
	v2 =	vadd.f32 v3, v2  }
0x122: {  	v3 =	vld [tilespmem:s10+$0xFFFFFEA0]  }
0x123: {  	s13 =	simm.s32 $0x0;
	v11 =	vld [tilespmem:s10+$0xFFFFFEE0];
	[tilespmem:s10+$0x0] =	vst v2  }
0x124: {  	v2 =	vld [tilespmem:s10+$0xFFFFFF20]  }
0x125: {  	v6 =	vadd.f32 v6, v9;
	v9 =	vld [tilespmem:s10+$0xFFFFFF60]  }
0x126: {  	v1 =	vadd.f32 v1, v10;
	v10 =	vld [tilespmem:s10+$0xFFFFFFA0]  }
0x127: {  	[tilespmem:s10+$0xFFFFFE20] =	vst v6;
	v6 =	vld [tilespmem:s10+$0xFFFFFE30];
	v3 =	vadd.f32 v7, v3  }
0x128: {  	v7 =	vld [tilespmem:s1+$0xFFFFFE30];
	[tilespmem:s10+$0xFFFFFE60] =	vst v1;
	v0 =	vadd.f32 v0, v11  }
0x129: {  	v1 =	vld [tilespmem:s1+$0xFFFFFE70];
	[tilespmem:s10+$0xFFFFFEA0] =	vst v3;
	v2 =	vadd.f32 v4, v2  }
0x12a: {  	v3 =	vld [tilespmem:s1+$0xFFFFFEB0];
	[tilespmem:s10+$0xFFFFFEE0] =	vst v0;
	v0 =	vadd.f32 v5, v9  }
0x12b: {  	v4 =	vld [tilespmem:s1+$0xFFFFFEF0];
	[tilespmem:s10+$0xFFFFFF20] =	vst v2;
	v2 =	vadd.f32 v8, v10  }
0x12c: {  	v5 =	vld [tilespmem:s1+$0xFFFFFF30];
	[tilespmem:s10+$0xFFFFFF60] =	vst v0  }
0x12d: {  	v0 =	vadd.f32 v7, v6;
	v6 =	vld [tilespmem:s1+$0xFFFFFF70];
	[tilespmem:s10+$0xFFFFFFA0] =	vst v2  }
0x12e: {  	v2 =	vld [tilespmem:s1+$0xFFFFFFB0]  }
0x12f: {  	[tilespmem:s10+$0xFFFFFE30] =	vst v0;
	v0 =	vld [tilespmem:s10+$0xFFFFFE70]  }
0x130: {  	v7 =	vld [tilespmem:s10+$0xFFFFFEB0]  }
0x131: {  	v8 =	vld [tilespmem:s10+$0xFFFFFEF0]  }
0x132: {  	v9 =	vld [tilespmem:s10+$0xFFFFFF30]  }
0x133: {  	v10 =	vld [tilespmem:s10+$0xFFFFFF70]  }
0x134: {  	v0 =	vadd.f32 v1, v0;
	v11 =	vld [tilespmem:s10+$0xFFFFFFB0]  }
0x135: {  	v12 =	vld [tilespmem:s1+$0xFFFFFE40];
	v1 =	vadd.f32 v3, v7  }
0x136: {  	v3 =	vld [tilespmem:s10+$0xFFFFFE40];
	[tilespmem:s10+$0xFFFFFE70] =	vst v0;
	v0 =	vadd.f32 v4, v8  }
0x137: {  	v7 =	vld [tilespmem:s1+$0xFFFFFE80];
	[tilespmem:s10+$0xFFFFFEB0] =	vst v1;
	v5 =	vadd.f32 v5, v9  }
0x138: {  	v4 =	vld [tilespmem:s1+$0xFFFFFEC0];
	[tilespmem:s10+$0xFFFFFEF0] =	vst v0;
	v0 =	vadd.f32 v6, v10  }
0x139: {  	v1 =	vld [tilespmem:s1+$0xFFFFFF00];
	[tilespmem:s10+$0xFFFFFF30] =	vst v5;
	v5 =	vadd.f32 v2, v11  }
0x13a: {  	v2 =	vld [tilespmem:s1+$0xFFFFFF40];
	[tilespmem:s10+$0xFFFFFF70] =	vst v0  }
0x13b: {  	v6 =	vadd.f32 v12, v3;
	v3 =	vld [tilespmem:s1+$0xFFFFFF80];
	[tilespmem:s10+$0xFFFFFFB0] =	vst v5  }
0x13c: {  	v0 =	vld [tilespmem:s1+$0xFFFFFFC0]  }
0x13d: {  	[tilespmem:s10+$0xFFFFFE40] =	vst v6;
	v10 =	vld [tilespmem:s10+$0xFFFFFE80]  }
.Ltmp2:
0x13e: {  	v9 =	vld [tilespmem:s10+$0xFFFFFEC0];
	(pc) =	sbr.rel @p0 .LBB2_7-.Ltmp2, $4  }
0x13f: {  	v8 =	vld [tilespmem:s10+$0xFFFFFF00]  }
0x140: {  	v6 =	vld [tilespmem:s10+$0xFFFFFF40]  }
0x141: {  	v5 =	vld [tilespmem:s10+$0xFFFFFF80]  }
0x142: {  	s10 =	sadd.s32 $0x200, s10;
	v10 =	vadd.f32 v7, v10;
	v7 =	vld [tilespmem:s31+$0xFFFFFFC0]  }
0x143: {  	v4 =	vadd.f32 v4, v9  }
0x144: {  	[tilespmem:s31+$0xFFFFFE80] =	vst v10;
	v1 =	vadd.f32 v1, v8  }
0x145: {  	[tilespmem:s31+$0xFFFFFEC0] =	vst v4;
	v2 =	vadd.f32 v2, v6  }
0x146: {  	[tilespmem:s31+$0xFFFFFF00] =	vst v1;
	v63 =	vadd.f32 v3, v5  }
0x147: {  	[tilespmem:s31+$0xFFFFFF40] =	vst v2;
	v0 =	vadd.f32 v0, v7  }
0x148: {  	[tilespmem:s31+$0xFFFFFF80] =	vst v63  }
0x149: {  	[tilespmem:s31+$0xFFFFFFC0] =	vst v0  }
.LBB2_9:
0x14a: {  	s0 =	sshra.s32 s13, $0x2  }
0x14b: {  	v0 =	vld [tilespmem:s0+$0x9900]  }
0x14c: {  	v1 =	vld [tilespmem:s0+$0xFD00]  }
0x14d: {  	v2 =	vld [tilespmem:s0+$0x9910]  }
0x14e: {  	v3 =	vld [tilespmem:s0+$0xFD10]  }
0x14f: {  	v4 =	vld [tilespmem:s0+$0x9920]  }
0x150: {  	v5 =	vld [tilespmem:s0+$0xFD20]  }
0x151: {  	v6 =	vld [tilespmem:s0+$0x9930]  }
0x152: {  	v7 =	vld [tilespmem:s0+$0xFD30];
	_ =	sdelay $0x1  }
0x153: {  	p0 =	sne.s32 s13, $0x300;
	v0 =	vadd.f32 v1, v0  }
.Ltmp3:
0x154: {  	v61 =	vadd.f32 v3, v2;
	(pc) =	sbr.rel @p0 .LBB2_9-.Ltmp3, $4  }
0x155: {  	v62 =	vadd.f32 v5, v4;
	[tilespmem:s0+$0x9900] =	vst v0  }
0x156: {  	v63 =	vadd.f32 v7, v6;
	[tilespmem:s0+$0x9910] =	vst v61  }
0x157: {  	[tilespmem:s0+$0x9920] =	vst v62  }
0x158: {  	s13 =	sadd.s32 $0x100, s13;
	[tilespmem:s0+$0x9930] =	vst v63  }
0x159: {  	s0 =	sadd.s32 s6, s30  }
0x15a: {  	s0 =	smul.u32 $0x320, s0;
	_ =	sdelay $0x1  }
0x15b: {  	p0 =	seq.s32 s26, $0x3F;
	s0 =	sadd.s32 s2, s0  }
0x15c: {  	[hbm4b:s0+s3] =	stream.linear.scatter [tilespmem:s14], [sflag:$0x6], $0x1900, $0x38;
	[tilespmem:$0xFE00] =	vst v63  }
0x15d: {  	s0 =	smul.u32 @!p0 $0x680, s26  }
0x15e: {  	_ =	swait.ge [sflag:s19], $0x1900  }
0x15f: {  	s1 =	simm.s32 @!p0 $0x64;
	[sflag:s19] =	ssyncset.done $0x0;
	s30 =	sshra.s32 @!p0 s0, $0x2  }
0x160: {  	s10 =	simm.s32 @!p0 $0x6800;
	[sflag:s19] =	ssyncadd.s32 $0xFFFFE700;
	s0 =	sadd.s32 @!p0 $0x1A0, s30  }
0x161: {  	[tilespmem:s10], [sflag:$0x1] =	stream.indirect.gather @!p0 [hbm4b:s4+s1], $0x40, s0, s1, $0xb8;
	[tilespmem:$0xFE00] =	vst v63  }
0x162: {  	_ =	swait.ge [sflag:s20], $0x1900  }
0x163: {  	[sflag:s20] =	ssyncset.done $0x0  }
0x164: {  	s31 =	simm.s32 $0x9BF0;
	[sflag:s20] =	ssyncadd.s32 $0xFFFFE700  }
0x165: {  	s1 =	simm.s32 $0xCD00;
	v0 =	vld [tilespmem:s31+$0xFFFFFFD0]  }
0x166: {  	v1 =	vld [tilespmem:s1+$0xC0]  }
0x167: {  	v2 =	vld [tilespmem:s1+$0xFFFFFF00]  }
0x168: {  	v3 =	vld [tilespmem:s31+$0xFFFFFE50]  }
0x169: {  	v4 =	vld [tilespmem:s31+$0xFFFFFE90]  }
0x16a: {  	v6 =	vld [tilespmem:s1+$0xFFFFFF80]  }
0x16b: {  	v7 =	vld [tilespmem:s31+$0xFFFFFED0]  }
0x16c: {  	v8 =	vld [tilespmem:s1+$0xFFFFFFC0]  }
0x16d: {  	v9 =	vld [tilespmem:s31+$0xFFFFFF10]  }
0x16e: {  	v10 =	vld [tilespmem:s1+$0x0]  }
0x16f: {  	v11 =	vld [tilespmem:s1+$0x40]  }
0x170: {  	v60 =	vld [tilespmem:s31+$0xFFFFFEE0]  }
0x171: {  	v13 =	vld [tilespmem:s31+$0xFFFFFF20]  }
0x172: {  	v61 =	vld [tilespmem:s31+$0xFFFFFEF0]  }
0x173: {  	v62 =	vld [tilespmem:s31+$0xFFFFFF70];
	v0 =	vadd.f32 v1, v0  }
0x174: {  	v1 =	vld [tilespmem:s1+$0xFFFFFF40]  }
0x175: {  	[tilespmem:s31+$0xFFFFFFD0] =	vst v0;
	v0 =	vld [tilespmem:s31+$0xFFFFFFE0]  }
0x176: {  	v5 =	vld [tilespmem:s1+$0xD0]  }
0x177: {  	v63 =	vld [tilespmem:s31+$0xFFFFFE40];
	v4 =	vadd.f32 v6, v4  }
0x178: {  	v6 =	vld [tilespmem:s1+$0x80]  }
0x179: {  	[tilespmem:s31+$0xFFFFFE90] =	vst v4;
	v4 =	vadd.f32 v10, v9;
	v10 =	vld [tilespmem:s31+$0xFFFFFE60];
	v1 =	vadd.f32 v1, v3  }
0x17a: {  	v3 =	vld [tilespmem:s31+$0xFFFFFF90]  }
0x17b: {  	[tilespmem:s31+$0xFFFFFE50] =	vst v1;
	v0 =	vadd.f32 v5, v0;
	v5 =	vld [tilespmem:s31+$0xFFFFFF50]  }
0x17c: {  	v1 =	vadd.f32 v8, v7;
	v8 =	vld [tilespmem:s1+$0xFFFFFF50]  }
0x17d: {  	[tilespmem:s31+$0xFFFFFFE0] =	vst v0;
	v0 =	vld [tilespmem:s31+$0xFFFFFFF0]  }
0x17e: {  	[tilespmem:s31+$0xFFFFFF10] =	vst v4;
	v12 =	vld [tilespmem:s1+$0xE0]  }
0x17f: {  	v9 =	vld [tilespmem:s1+$0x10]  }
0x180: {  	v7 =	vld [tilespmem:s31+$0xFFFFFE10]  }
0x181: {  	[tilespmem:s31+$0xFFFFFED0] =	vst v1;
	v1 =	vld [tilespmem:s1+$0xFFFFFF90]  }
0x182: {  	v4 =	vld [tilespmem:s1+$0xFFFFFFD0];
	v8 =	vadd.f32 v8, v10  }
0x183: {  	v5 =	vadd.f32 v11, v5;
	v11 =	vld [tilespmem:s31+$0xFFFFFEA0];
	v0 =	vadd.f32 v12, v0  }
0x184: {  	v10 =	vld [tilespmem:s31+$0xFFFFFFA0];
	[tilespmem:s31+$0xFFFFFE60] =	vst v8  }
0x185: {  	v8 =	vld [tilespmem:s1+$0xFFFFFF60];
	[tilespmem:s31+$0xFFFFFFF0] =	vst v0;
	v0 =	vadd.f32 v2, v7  }
0x186: {  	[tilespmem:s31+$0xFFFFFF50] =	vst v5;
	v7 =	vld [tilespmem:s31+$0x0];
	v2 =	vadd.f32 v6, v3  }
0x187: {  	v5 =	vld [tilespmem:s1+$0xF0];
	[tilespmem:s31+$0xFFFFFE10] =	vst v0  }
0x188: {  	v1 =	vadd.f32 v1, v11;
	[tilespmem:s31+$0xFFFFFF90] =	vst v2;
	v2 =	vld [tilespmem:s31+$0xFFFFFE20]  }
0x189: {  	v3 =	vld [tilespmem:s1+$0xFFFFFF10]  }
0x18a: {  	[tilespmem:s31+$0xFFFFFEA0] =	vst v1;
	v1 =	vadd.f32 v9, v13;
	v6 =	vld [tilespmem:s1+$0x90]  }
0x18b: {  	v4 =	vadd.f32 v4, v60;
	v0 =	vld [tilespmem:s1+$0x50]  }
0x18c: {  	v9 =	vld [tilespmem:s1+$0xFFFFFFA0];
	[tilespmem:s31+$0xFFFFFF20] =	vst v1  }
0x18d: {  	[tilespmem:s31+$0xFFFFFEE0] =	vst v4;
	v4 =	vld [tilespmem:s1+$0x20]  }
0x18e: {  	v2 =	vadd.f32 v3, v2;
	v3 =	vld [tilespmem:s31+$0xFFFFFF60]  }
0x18f: {  	v1 =	vadd.f32 v6, v10;
	v10 =	vld [tilespmem:s31+$0xFFFFFEB0]  }
0x190: {  	[tilespmem:s31+$0xFFFFFE20] =	vst v2;
	v2 =	vld [tilespmem:s31+$0xFFFFFE30]  }
0x191: {  	v11 =	vld [tilespmem:s1+$0xFFFFFF20]  }
0x192: {  	v5 =	vadd.f32 v5, v7;
	[tilespmem:s31+$0xFFFFFFA0] =	vst v1;
	v1 =	vld [tilespmem:s31+$0xFFFFFE70]  }
0x193: {  	v7 =	vld [tilespmem:s31+$0xFFFFFF40]  }
0x194: {  	[tilespmem:s31+$0x0] =	vst v5;
	v5 =	vld [tilespmem:s31+$0xFFFFFF80]  }
0x195: {  	v6 =	vld [tilespmem:s1+$0xA0]  }
0x196: {  	v0 =	vadd.f32 v0, v3;
	v3 =	vld [tilespmem:s1+$0xFFFFFFE0];
	v2 =	vadd.f32 v11, v2  }
0x197: {  	v1 =	vadd.f32 v8, v1;
	v8 =	vadd.f32 v9, v10;
	v9 =	vld [tilespmem:s31+$0xFFFFFEC0]  }
0x198: {  	[tilespmem:s31+$0xFFFFFE30] =	vst v2;
	v2 =	vld [tilespmem:s31+$0xFFFFFFB0]  }
0x199: {  	[tilespmem:s31+$0xFFFFFF60] =	vst v0;
	v11 =	vld [tilespmem:s31+$0xFFFFFF30]  }
0x19a: {  	v0 =	vld [tilespmem:s1+$0x60];
	[tilespmem:s31+$0xFFFFFE70] =	vst v1  }
0x19b: {  	[tilespmem:s31+$0xFFFFFEB0] =	vst v8;
	v8 =	vld [tilespmem:s31+$0xFFFFFF00]  }
0x19c: {  	v1 =	vadd.f32 v3, v61;
	v14 =	vld [tilespmem:s1+$0xFFFFFF70]  }
0x19d: {  	v10 =	vld [tilespmem:s1+$0xFFFFFF30];
	v6 =	vadd.f32 v6, v2  }
0x19e: {  	[tilespmem:s31+$0xFFFFFEF0] =	vst v1;
	v3 =	vadd.f32 v4, v11;
	v4 =	vld [tilespmem:s1+$0xFFFFFFB0]  }
0x19f: {  	v0 =	vadd.f32 v0, v62;
	[tilespmem:s31+$0xFFFFFFB0] =	vst v6;
	v6 =	vld [tilespmem:s31+$0xFFFFFE80]  }
0x1a0: {  	v1 =	vld [tilespmem:s1+$0xFFFFFFF0];
	[tilespmem:s31+$0xFFFFFF30] =	vst v3  }
0x1a1: {  	[tilespmem:s31+$0xFFFFFF70] =	vst v0;
	v2 =	vld [tilespmem:s1+$0x30]  }
0x1a2: {  	v3 =	vld [tilespmem:s1+$0x70];
	v10 =	vadd.f32 v10, v63  }
0x1a3: {  	v0 =	vld [tilespmem:s1+$0xB0]  }
0x1a4: {  	s0 =	simm.s32 $0x0;
	s10 =	simm.s32 $0x9DF0;
	[tilespmem:s31+$0xFFFFFE40] =	vst v10;
	v10 =	vadd.f32 v14, v6;
	v6 =	vld [tilespmem:s31+$0xFFFFFFC0]  }
.LBB2_11:
0x1a5: {  	v11 =	vld [tilespmem:s10+$0xFFFFFFD0];
	v4 =	vadd.f32 v4, v9;
	s1 =	sadd.s32 $0x200, s1  }
0x1a6: {  	s0 =	sadd.s32 $0x8, s0;
	v9 =	vld [tilespmem:s1+$0xC0];
	[tilespmem:s31+$0xFFFFFE80] =	vst v10;
	v1 =	vadd.f32 v1, v8  }
0x1a7: {  	p1 =	slt.u32 s0, $0x58;
	v8 =	vld [tilespmem:s1+$0xFFFFFF00];
	[tilespmem:s31+$0xFFFFFEC0] =	vst v4;
	v2 =	vadd.f32 v2, v7  }
0x1a8: {  	v4 =	vld [tilespmem:s10+$0xFFFFFE50];
	[tilespmem:s31+$0xFFFFFF00] =	vst v1;
	v1 =	vadd.f32 v3, v5  }
0x1a9: {  	v3 =	vld [tilespmem:s1+$0xFFFFFF40];
	[tilespmem:s31+$0xFFFFFF40] =	vst v2;
	v0 =	vadd.f32 v0, v6  }
0x1aa: {  	v2 =	vld [tilespmem:s10+$0xFFFFFE90];
	[tilespmem:s31+$0xFFFFFF80] =	vst v1  }
0x1ab: {  	v1 =	vld [tilespmem:s1+$0xFFFFFF80];
	v5 =	vadd.f32 v9, v11;
	[tilespmem:s31+$0xFFFFFFC0] =	vst v0;
	s31 =	smov.u32 s10  }
0x1ac: {  	v0 =	vld [tilespmem:s10+$0xFFFFFED0]  }
0x1ad: {  	[tilespmem:s10+$0xFFFFFFD0] =	vst v5;
	v5 =	vld [tilespmem:s10+$0xFFFFFFE0]  }
0x1ae: {  	v3 =	vadd.f32 v3, v4;
	v4 =	vld [tilespmem:s1+$0xD0]  }
0x1af: {  	v6 =	vld [tilespmem:s1+$0xFFFFFFC0]  }
0x1b0: {  	[tilespmem:s10+$0xFFFFFE50] =	vst v3;
	v1 =	vadd.f32 v1, v2;
	v2 =	vld [tilespmem:s10+$0xFFFFFF10]  }
0x1b1: {  	v3 =	vld [tilespmem:s1+$0x0]  }
0x1b2: {  	[tilespmem:s10+$0xFFFFFE90] =	vst v1;
	v1 =	vld [tilespmem:s10+$0xFFFFFF50]  }
0x1b3: {  	v7 =	vld [tilespmem:s1+$0x40];
	v4 =	vadd.f32 v4, v5  }
0x1b4: {  	v0 =	vadd.f32 v6, v0;
	v5 =	vld [tilespmem:s10+$0xFFFFFF90]  }
0x1b5: {  	[tilespmem:s10+$0xFFFFFFE0] =	vst v4;
	v4 =	vld [tilespmem:s10+$0xFFFFFFF0]  }
0x1b6: {  	[tilespmem:s10+$0xFFFFFED0] =	vst v0;
	v0 =	vadd.f32 v3, v2;
	v2 =	vld [tilespmem:s1+$0xE0]  }
0x1b7: {  	v3 =	vld [tilespmem:s1+$0x80]  }
0x1b8: {  	v6 =	vld [tilespmem:s10+$0xFFFFFE10];
	[tilespmem:s10+$0xFFFFFF10] =	vst v0;
	v0 =	vadd.f32 v7, v1  }
0x1b9: {  	v1 =	vld [tilespmem:s1+$0xFFFFFF50]  }
0x1ba: {  	v7 =	vld [tilespmem:s1+$0xFFFFFF90];
	[tilespmem:s10+$0xFFFFFF50] =	vst v0  }
0x1bb: {  	v0 =	vld [tilespmem:s1+$0xFFFFFFD0];
	v2 =	vadd.f32 v2, v4  }
0x1bc: {  	v4 =	vld [tilespmem:s1+$0x10];
	v3 =	vadd.f32 v3, v5  }
0x1bd: {  	v5 =	vadd.f32 v8, v6;
	[tilespmem:s10+$0xFFFFFFF0] =	vst v2;
	v2 =	vld [tilespmem:s10+$0x0]  }
0x1be: {  	[tilespmem:s10+$0xFFFFFF90] =	vst v3;
	v3 =	vld [tilespmem:s1+$0xF0]  }
0x1bf: {  	[tilespmem:s10+$0xFFFFFE10] =	vst v5;
	v5 =	vld [tilespmem:s1+$0x50]  }
0x1c0: {  	v6 =	vld [tilespmem:s1+$0xFFFFFF10]  }
0x1c1: {  	v8 =	vld [tilespmem:s1+$0x90]  }
0x1c2: {  	v9 =	vld [tilespmem:s10+$0xFFFFFE20]  }
0x1c3: {  	v10 =	vld [tilespmem:s10+$0xFFFFFE60];
	v2 =	vadd.f32 v3, v2  }
0x1c4: {  	v3 =	vld [tilespmem:s10+$0xFFFFFEA0]  }
0x1c5: {  	s13 =	simm.s32 $0x0;
	v11 =	vld [tilespmem:s10+$0xFFFFFEE0];
	[tilespmem:s10+$0x0] =	vst v2  }
0x1c6: {  	v2 =	vld [tilespmem:s10+$0xFFFFFF20]  }
0x1c7: {  	v6 =	vadd.f32 v6, v9;
	v9 =	vld [tilespmem:s10+$0xFFFFFF60]  }
0x1c8: {  	v1 =	vadd.f32 v1, v10;
	v10 =	vld [tilespmem:s10+$0xFFFFFFA0]  }
0x1c9: {  	[tilespmem:s10+$0xFFFFFE20] =	vst v6;
	v6 =	vld [tilespmem:s10+$0xFFFFFE30];
	v3 =	vadd.f32 v7, v3  }
0x1ca: {  	v7 =	vld [tilespmem:s1+$0xFFFFFF20];
	[tilespmem:s10+$0xFFFFFE60] =	vst v1;
	v0 =	vadd.f32 v0, v11  }
0x1cb: {  	v1 =	vld [tilespmem:s1+$0xFFFFFF60];
	[tilespmem:s10+$0xFFFFFEA0] =	vst v3;
	v2 =	vadd.f32 v4, v2  }
0x1cc: {  	v3 =	vld [tilespmem:s1+$0xFFFFFFA0];
	[tilespmem:s10+$0xFFFFFEE0] =	vst v0;
	v0 =	vadd.f32 v5, v9  }
0x1cd: {  	v4 =	vld [tilespmem:s1+$0xFFFFFFE0];
	[tilespmem:s10+$0xFFFFFF20] =	vst v2;
	v2 =	vadd.f32 v8, v10  }
0x1ce: {  	v5 =	vld [tilespmem:s1+$0x20];
	[tilespmem:s10+$0xFFFFFF60] =	vst v0  }
0x1cf: {  	v0 =	vadd.f32 v7, v6;
	v6 =	vld [tilespmem:s1+$0x60];
	[tilespmem:s10+$0xFFFFFFA0] =	vst v2  }
0x1d0: {  	v2 =	vld [tilespmem:s1+$0xA0]  }
0x1d1: {  	[tilespmem:s10+$0xFFFFFE30] =	vst v0;
	v0 =	vld [tilespmem:s10+$0xFFFFFE70]  }
0x1d2: {  	v7 =	vld [tilespmem:s10+$0xFFFFFEB0]  }
0x1d3: {  	v8 =	vld [tilespmem:s10+$0xFFFFFEF0]  }
0x1d4: {  	v9 =	vld [tilespmem:s10+$0xFFFFFF30]  }
0x1d5: {  	v10 =	vld [tilespmem:s10+$0xFFFFFF70]  }
0x1d6: {  	v0 =	vadd.f32 v1, v0;
	v11 =	vld [tilespmem:s10+$0xFFFFFFB0]  }
0x1d7: {  	v12 =	vld [tilespmem:s1+$0xFFFFFF30];
	v1 =	vadd.f32 v3, v7  }
0x1d8: {  	v3 =	vld [tilespmem:s10+$0xFFFFFE40];
	[tilespmem:s10+$0xFFFFFE70] =	vst v0;
	v0 =	vadd.f32 v4, v8  }
0x1d9: {  	v13 =	vld [tilespmem:s1+$0xFFFFFF70];
	[tilespmem:s10+$0xFFFFFEB0] =	vst v1;
	v5 =	vadd.f32 v5, v9  }
0x1da: {  	v4 =	vld [tilespmem:s1+$0xFFFFFFB0];
	[tilespmem:s10+$0xFFFFFEF0] =	vst v0;
	v0 =	vadd.f32 v6, v10  }
0x1db: {  	v1 =	vld [tilespmem:s1+$0xFFFFFFF0];
	[tilespmem:s10+$0xFFFFFF30] =	vst v5;
	v5 =	vadd.f32 v2, v11  }
0x1dc: {  	v2 =	vld [tilespmem:s1+$0x30];
	[tilespmem:s10+$0xFFFFFF70] =	vst v0  }
0x1dd: {  	v6 =	vadd.f32 v12, v3;
	v3 =	vld [tilespmem:s1+$0x70];
	[tilespmem:s10+$0xFFFFFFB0] =	vst v5  }
0x1de: {  	v0 =	vld [tilespmem:s1+$0xB0]  }
0x1df: {  	[tilespmem:s10+$0xFFFFFE40] =	vst v6;
	v6 =	vld [tilespmem:s10+$0xFFFFFE80]  }
.Ltmp4:
0x1e0: {  	v9 =	vld [tilespmem:s10+$0xFFFFFEC0];
	(pc) =	sbr.rel @p1 .LBB2_11-.Ltmp4, $4  }
0x1e1: {  	v8 =	vld [tilespmem:s10+$0xFFFFFF00]  }
0x1e2: {  	v7 =	vld [tilespmem:s10+$0xFFFFFF40]  }
0x1e3: {  	v5 =	vld [tilespmem:s10+$0xFFFFFF80]  }
0x1e4: {  	s10 =	sadd.s32 $0x200, s10;
	v10 =	vadd.f32 v13, v6;
	v6 =	vld [tilespmem:s31+$0xFFFFFFC0]  }
0x1e5: {  	v4 =	vadd.f32 v4, v9  }
0x1e6: {  	[tilespmem:s31+$0xFFFFFE80] =	vst v10;
	v1 =	vadd.f32 v1, v8  }
0x1e7: {  	[tilespmem:s31+$0xFFFFFEC0] =	vst v4;
	v2 =	vadd.f32 v2, v7  }
0x1e8: {  	[tilespmem:s31+$0xFFFFFF00] =	vst v1;
	v63 =	vadd.f32 v3, v5  }
0x1e9: {  	[tilespmem:s31+$0xFFFFFF40] =	vst v2;
	v0 =	vadd.f32 v0, v6  }
0x1ea: {  	[tilespmem:s31+$0xFFFFFF80] =	vst v63  }
0x1eb: {  	[tilespmem:s31+$0xFFFFFFC0] =	vst v0  }
.LBB2_13:
0x1ec: {  	s0 =	sshra.s32 s13, $0x2  }
0x1ed: {  	v0 =	vld [tilespmem:s0+$0xB200]  }
0x1ee: {  	v1 =	vld [tilespmem:s0+$0xE400]  }
0x1ef: {  	v2 =	vld [tilespmem:s0+$0xB210]  }
0x1f0: {  	v3 =	vld [tilespmem:s0+$0xE410]  }
0x1f1: {  	v4 =	vld [tilespmem:s0+$0xB220]  }
0x1f2: {  	v5 =	vld [tilespmem:s0+$0xE420]  }
0x1f3: {  	v6 =	vld [tilespmem:s0+$0xB230]  }
0x1f4: {  	v7 =	vld [tilespmem:s0+$0xE430];
	_ =	sdelay $0x1  }
0x1f5: {  	p1 =	sne.s32 s13, $0x300;
	v0 =	vadd.f32 v1, v0  }
.Ltmp5:
0x1f6: {  	v61 =	vadd.f32 v3, v2;
	(pc) =	sbr.rel @p1 .LBB2_13-.Ltmp5, $4  }
0x1f7: {  	v62 =	vadd.f32 v5, v4;
	[tilespmem:s0+$0xB200] =	vst v0  }
0x1f8: {  	v63 =	vadd.f32 v7, v6;
	[tilespmem:s0+$0xB210] =	vst v61  }
0x1f9: {  	[tilespmem:s0+$0xB220] =	vst v62  }
0x1fa: {  	s13 =	sadd.s32 $0x100, s13;
	[tilespmem:s0+$0xB230] =	vst v63  }
0x1fb: {  	s0 =	sadd.s32 s6, s28  }
0x1fc: {  	s0 =	smul.u32 $0x320, s0;
	_ =	sdelay $0x1  }
0x1fd: {  	s0 =	sadd.s32 s2, s0  }
0x1fe: {  	[hbm4b:s0+s3] =	stream.linear.scatter [tilespmem:s15], [sflag:$0x7], $0x1900, $0x38;
	[tilespmem:$0xFE00] =	vst v63  }
0x1ff: {  	_ =	swait.ge [sflag:s21], $0x1900  }
0x200: {  	s1 =	simm.s32 @!p0 $0x64;
	[sflag:s21] =	ssyncset.done $0x0  }
0x201: {  	s10 =	simm.s32 @!p0 $0x8100;
	s0 =	sadd.s32 @!p0 $0x208, s30;
	[sflag:s21] =	ssyncadd.s32 $0xFFFFE700  }
0x202: {  	[tilespmem:s10], [sflag:$0x2] =	stream.indirect.gather @!p0 [hbm4b:s4+s1], $0x40, s0, s1, $0xb8;
	[tilespmem:$0xFE00] =	vst v63  }
0x203: {  	_ =	swait.ge [sflag:s22], $0x1900  }
0x204: {  	[sflag:s22] =	ssyncset.done $0x0  }
0x205: {  	s28 =	simm.s32 $0x0;
	[sflag:s22] =	ssyncadd.s32 $0xFFFFE700  }
0x206: {  	v0 =	vld [tilespmem:s28+$0xB4F0]  }
0x207: {  	v1 =	vld [tilespmem:s28+$0xE6F0]  }
0x208: {  	v2 =	vld [tilespmem:s28+$0xB300]  }
0x209: {  	v3 =	vld [tilespmem:s28+$0xE500]  }
0x20a: {  	v4 =	vld [tilespmem:s28+$0xB310]  }
0x20b: {  	v5 =	vld [tilespmem:s28+$0xE510]  }
0x20c: {  	v6 =	vld [tilespmem:s28+$0xB320]  }
0x20d: {  	v7 =	vld [tilespmem:s28+$0xE520]  }
0x20e: {  	v8 =	vld [tilespmem:s28+$0xB330]  }
0x20f: {  	v9 =	vld [tilespmem:s28+$0xE530]  }
0x210: {  	v10 =	vld [tilespmem:s28+$0xB340]  }
0x211: {  	v11 =	vld [tilespmem:s28+$0xE540]  }
0x212: {  	v12 =	vld [tilespmem:s28+$0xB350]  }
0x213: {  	v13 =	vld [tilespmem:s28+$0xE550]  }
0x214: {  	v14 =	vld [tilespmem:s28+$0xB360]  }
0x215: {  	v15 =	vld [tilespmem:s28+$0xE560]  }
0x216: {  	v16 =	vld [tilespmem:s28+$0xB370]  }
0x217: {  	v17 =	vld [tilespmem:s28+$0xE570]  }
0x218: {  	v18 =	vld [tilespmem:s28+$0xB380]  }
0x219: {  	v19 =	vld [tilespmem:s28+$0xE580]  }
0x21a: {  	v20 =	vld [tilespmem:s28+$0xB390]  }
0x21b: {  	v21 =	vld [tilespmem:s28+$0xE590]  }
0x21c: {  	v22 =	vld [tilespmem:s28+$0xB3A0]  }
0x21d: {  	v23 =	vld [tilespmem:s28+$0xE5A0]  }
0x21e: {  	v24 =	vld [tilespmem:s28+$0xB3B0]  }
0x21f: {  	v25 =	vld [tilespmem:s28+$0xE5B0]  }
0x220: {  	v26 =	vld [tilespmem:s28+$0xB3C0]  }
0x221: {  	v27 =	vld [tilespmem:s28+$0xE5C0]  }
0x222: {  	v28 =	vld [tilespmem:s28+$0xB3D0]  }
0x223: {  	v29 =	vld [tilespmem:s28+$0xE5D0]  }
0x224: {  	v30 =	vld [tilespmem:s28+$0xB3E0]  }
0x225: {  	v31 =	vld [tilespmem:s28+$0xE5E0]  }
0x226: {  	v32 =	vld [tilespmem:s28+$0xB3F0]  }
0x227: {  	v51 =	vld [tilespmem:s28+$0xE620];
	v0 =	vadd.f32 v1, v0  }
0x228: {  	v52 =	vld [tilespmem:s28+$0xB430];
	v2 =	vadd.f32 v3, v2  }
0x229: {  	v53 =	vld [tilespmem:s28+$0xE630];
	[tilespmem:s28+$0xB4F0] =	vst v0;
	v0 =	vadd.f32 v5, v4  }
0x22a: {  	v54 =	vld [tilespmem:s28+$0xB440];
	[tilespmem:s28+$0xB300] =	vst v2;
	v2 =	vadd.f32 v7, v6  }
0x22b: {  	v55 =	vld [tilespmem:s28+$0xE640];
	[tilespmem:s28+$0xB310] =	vst v0;
	v0 =	vadd.f32 v9, v8  }
0x22c: {  	v56 =	vld [tilespmem:s28+$0xB450];
	[tilespmem:s28+$0xB320] =	vst v2;
	v2 =	vadd.f32 v11, v10  }
0x22d: {  	v57 =	vld [tilespmem:s28+$0xE650];
	[tilespmem:s28+$0xB330] =	vst v0;
	v0 =	vadd.f32 v13, v12  }
0x22e: {  	v58 =	vld [tilespmem:s28+$0xB460];
	[tilespmem:s28+$0xB340] =	vst v2;
	v2 =	vadd.f32 v15, v14  }
0x22f: {  	v59 =	vld [tilespmem:s28+$0xE660];
	[tilespmem:s28+$0xB350] =	vst v0;
	v0 =	vadd.f32 v17, v16  }
0x230: {  	v1 =	vld [tilespmem:s28+$0xE5F0];
	[tilespmem:s28+$0xB360] =	vst v2;
	v2 =	vadd.f32 v19, v18  }
0x231: {  	v3 =	vld [tilespmem:s28+$0xB400];
	[tilespmem:s28+$0xB370] =	vst v0;
	v0 =	vadd.f32 v21, v20  }
0x232: {  	v4 =	vld [tilespmem:s28+$0xE600];
	[tilespmem:s28+$0xB380] =	vst v2;
	v2 =	vadd.f32 v23, v22  }
0x233: {  	v5 =	vld [tilespmem:s28+$0xB410];
	[tilespmem:s28+$0xB390] =	vst v0;
	v0 =	vadd.f32 v25, v24  }
0x234: {  	v6 =	vld [tilespmem:s28+$0xE610];
	[tilespmem:s28+$0xB3A0] =	vst v2;
	v2 =	vadd.f32 v27, v26  }
0x235: {  	v7 =	vld [tilespmem:s28+$0xB420];
	[tilespmem:s28+$0xB3B0] =	vst v0;
	v0 =	vadd.f32 v29, v28  }
0x236: {  	v60 =	vld [tilespmem:s28+$0xB470];
	[tilespmem:s28+$0xB3C0] =	vst v2;
	v2 =	vadd.f32 v31, v30  }
0x237: {  	v61 =	vld [tilespmem:s28+$0xE6A0];
	[tilespmem:s28+$0xB3D0] =	vst v0;
	v0 =	vadd.f32 v1, v32  }
0x238: {  	v1 =	vld [tilespmem:s28+$0xE670];
	[tilespmem:s28+$0xB3E0] =	vst v2;
	v2 =	vadd.f32 v4, v3  }
0x239: {  	v3 =	vld [tilespmem:s28+$0xB480];
	[tilespmem:s28+$0xB3F0] =	vst v0;
	v0 =	vadd.f32 v6, v5  }
0x23a: {  	v4 =	vld [tilespmem:s28+$0xE680];
	[tilespmem:s28+$0xB400] =	vst v2;
	v2 =	vadd.f32 v51, v7  }
0x23b: {  	v5 =	vld [tilespmem:s28+$0xB490];
	[tilespmem:s28+$0xB410] =	vst v0;
	v0 =	vadd.f32 v53, v52  }
0x23c: {  	v6 =	vld [tilespmem:s28+$0xE690];
	[tilespmem:s28+$0xB420] =	vst v2;
	v2 =	vadd.f32 v55, v54  }
0x23d: {  	v7 =	vld [tilespmem:s28+$0xB4A0];
	v1 =	vadd.f32 v1, v60;
	[tilespmem:s28+$0xB430] =	vst v0  }
0x23e: {  	v62 =	vld [tilespmem:s28+$0xB4B0];
	v0 =	vadd.f32 v57, v56;
	[tilespmem:s28+$0xB440] =	vst v2  }
0x23f: {  	v63 =	vld [tilespmem:s28+$0xE6B0];
	v2 =	vadd.f32 v59, v58;
	[tilespmem:s28+$0xB470] =	vst v1  }
0x240: {  	v3 =	vadd.f32 v4, v3;
	[tilespmem:s28+$0xB450] =	vst v0;
	v0 =	vld [tilespmem:s28+$0xB4C0]  }
0x241: {  	v4 =	vadd.f32 v6, v5;
	[tilespmem:s28+$0xB460] =	vst v2;
	v2 =	vld [tilespmem:s28+$0xE6C0]  }
0x242: {  	[tilespmem:s28+$0xB480] =	vst v3;
	v5 =	vadd.f32 v61, v7;
	v1 =	vld [tilespmem:s28+$0xB4D0]  }
0x243: {  	v3 =	vld [tilespmem:s28+$0xE6D0];
	[tilespmem:s28+$0xB490] =	vst v4  }
0x244: {  	s1 =	simm.s32 $0x0;
	s0 =	simm.s32 $0x0;
	s10 =	simm.s32 $0x800;
	[tilespmem:s28+$0xB4A0] =	vst v5;
	v5 =	vadd.f32 v63, v62;
	v4 =	vld [tilespmem:s28+$0xB4E0]  }
.LBB2_15:
0x245: {  	s13 =	sshra.s32 s10, $0x2;
	v6 =	vld [tilespmem:s28+$0xE6E0]  }
0x246: {  	s0 =	sadd.s32 $0x8, s0;
	v7 =	vld [tilespmem:s13+$0xB4F0];
	[tilespmem:s28+$0xB4B0] =	vst v5;
	v0 =	vadd.f32 v2, v0  }
0x247: {  	p0 =	slt.u32 s0, $0x58;
	v2 =	vld [tilespmem:s13+$0xE6F0]  }
0x248: {  	v5 =	vld [tilespmem:s13+$0xB300];
	[tilespmem:s28+$0xB4C0] =	vst v0;
	v0 =	vadd.f32 v3, v1  }
0x249: {  	v1 =	vld [tilespmem:s13+$0xE500]  }
0x24a: {  	v3 =	vld [tilespmem:s13+$0xB310];
	[tilespmem:s28+$0xB4D0] =	vst v0;
	v0 =	vadd.f32 v6, v4  }
0x24b: {  	v4 =	vld [tilespmem:s13+$0xE510]  }
0x24c: {  	v6 =	vld [tilespmem:s13+$0xB320];
	v2 =	vadd.f32 v2, v7;
	[tilespmem:s28+$0xB4E0] =	vst v0;
	s28 =	smov.u32 s13  }
0x24d: {  	v0 =	vld [tilespmem:s28+$0xE520]  }
0x24e: {  	v1 =	vadd.f32 v1, v5;
	v5 =	vld [tilespmem:s28+$0xB330];
	[tilespmem:s28+$0xB4F0] =	vst v2  }
0x24f: {  	v2 =	vld [tilespmem:s28+$0xE530]  }
0x250: {  	[tilespmem:s28+$0xB300] =	vst v1;
	v1 =	vadd.f32 v4, v3;
	v3 =	vld [tilespmem:s28+$0xB340]  }
0x251: {  	v4 =	vld [tilespmem:s28+$0xE540]  }
0x252: {  	[tilespmem:s28+$0xB310] =	vst v1;
	v0 =	vadd.f32 v0, v6;
	v1 =	vld [tilespmem:s28+$0xB350]  }
0x253: {  	v6 =	vld [tilespmem:s28+$0xE550]  }
0x254: {  	[tilespmem:s28+$0xB320] =	vst v0;
	v0 =	vadd.f32 v2, v5;
	v2 =	vld [tilespmem:s28+$0xB360]  }
0x255: {  	v5 =	vld [tilespmem:s28+$0xE560]  }
0x256: {  	[tilespmem:s28+$0xB330] =	vst v0;
	v0 =	vadd.f32 v4, v3;
	v3 =	vld [tilespmem:s28+$0xB370]  }
0x257: {  	v4 =	vld [tilespmem:s28+$0xE570]  }
0x258: {  	[tilespmem:s28+$0xB340] =	vst v0;
	v0 =	vadd.f32 v6, v1;
	v1 =	vld [tilespmem:s28+$0xB380]  }
0x259: {  	v6 =	vld [tilespmem:s28+$0xE580]  }
0x25a: {  	[tilespmem:s28+$0xB350] =	vst v0;
	v0 =	vadd.f32 v5, v2;
	v2 =	vld [tilespmem:s28+$0xB390]  }
0x25b: {  	v5 =	vld [tilespmem:s28+$0xE590]  }
0x25c: {  	[tilespmem:s28+$0xB360] =	vst v0;
	v0 =	vadd.f32 v4, v3;
	v3 =	vld [tilespmem:s28+$0xB3A0]  }
0x25d: {  	v4 =	vld [tilespmem:s28+$0xE5A0]  }
0x25e: {  	[tilespmem:s28+$0xB370] =	vst v0;
	v0 =	vadd.f32 v6, v1;
	v1 =	vld [tilespmem:s28+$0xB3B0]  }
0x25f: {  	v6 =	vld [tilespmem:s28+$0xE5B0]  }
0x260: {  	[tilespmem:s28+$0xB380] =	vst v0;
	v0 =	vadd.f32 v5, v2;
	v2 =	vld [tilespmem:s28+$0xB3C0]  }
0x261: {  	v5 =	vld [tilespmem:s28+$0xE5C0]  }
0x262: {  	[tilespmem:s28+$0xB390] =	vst v0;
	v0 =	vadd.f32 v4, v3;
	v3 =	vld [tilespmem:s28+$0xB3D0]  }
0x263: {  	v4 =	vld [tilespmem:s28+$0xE5D0]  }
0x264: {  	[tilespmem:s28+$0xB3A0] =	vst v0;
	v0 =	vadd.f32 v6, v1;
	v1 =	vld [tilespmem:s28+$0xB3E0]  }
0x265: {  	v6 =	vld [tilespmem:s28+$0xE5E0]  }
0x266: {  	[tilespmem:s28+$0xB3B0] =	vst v0;
	v0 =	vadd.f32 v5, v2;
	v2 =	vld [tilespmem:s28+$0xB3F0]  }
0x267: {  	v5 =	vld [tilespmem:s28+$0xE5F0]  }
0x268: {  	[tilespmem:s28+$0xB3C0] =	vst v0;
	v0 =	vadd.f32 v4, v3;
	v3 =	vld [tilespmem:s28+$0xB400]  }
0x269: {  	v4 =	vld [tilespmem:s28+$0xE600]  }
0x26a: {  	[tilespmem:s28+$0xB3D0] =	vst v0;
	v0 =	vadd.f32 v6, v1;
	v1 =	vld [tilespmem:s28+$0xB410]  }
0x26b: {  	v6 =	vld [tilespmem:s28+$0xE610]  }
0x26c: {  	[tilespmem:s28+$0xB3E0] =	vst v0;
	v0 =	vadd.f32 v5, v2;
	v2 =	vld [tilespmem:s28+$0xB420]  }
0x26d: {  	v5 =	vld [tilespmem:s28+$0xE620]  }
0x26e: {  	[tilespmem:s28+$0xB3F0] =	vst v0;
	v0 =	vadd.f32 v4, v3;
	v3 =	vld [tilespmem:s28+$0xB430]  }
0x26f: {  	v4 =	vld [tilespmem:s28+$0xE630]  }
0x270: {  	[tilespmem:s28+$0xB400] =	vst v0;
	v0 =	vadd.f32 v6, v1;
	v1 =	vld [tilespmem:s28+$0xB440]  }
0x271: {  	v6 =	vld [tilespmem:s28+$0xE640]  }
0x272: {  	[tilespmem:s28+$0xB410] =	vst v0;
	v0 =	vadd.f32 v5, v2;
	v2 =	vld [tilespmem:s28+$0xB450]  }
0x273: {  	v5 =	vld [tilespmem:s28+$0xE650]  }
0x274: {  	[tilespmem:s28+$0xB420] =	vst v0;
	v0 =	vadd.f32 v4, v3;
	v3 =	vld [tilespmem:s28+$0xB460]  }
0x275: {  	v4 =	vld [tilespmem:s28+$0xE660]  }
0x276: {  	[tilespmem:s28+$0xB430] =	vst v0;
	v0 =	vadd.f32 v6, v1;
	v1 =	vld [tilespmem:s28+$0xB470]  }
0x277: {  	v6 =	vld [tilespmem:s28+$0xE670]  }
0x278: {  	[tilespmem:s28+$0xB440] =	vst v0;
	v0 =	vadd.f32 v5, v2;
	v2 =	vld [tilespmem:s28+$0xB480]  }
0x279: {  	v5 =	vld [tilespmem:s28+$0xE680]  }
0x27a: {  	[tilespmem:s28+$0xB450] =	vst v0;
	v0 =	vadd.f32 v4, v3;
	v3 =	vld [tilespmem:s28+$0xB490]  }
0x27b: {  	v4 =	vld [tilespmem:s28+$0xE690]  }
0x27c: {  	[tilespmem:s28+$0xB460] =	vst v0;
	v0 =	vadd.f32 v6, v1;
	v1 =	vld [tilespmem:s28+$0xB4A0]  }
0x27d: {  	v6 =	vld [tilespmem:s28+$0xE6A0]  }
0x27e: {  	[tilespmem:s28+$0xB470] =	vst v0;
	v0 =	vadd.f32 v5, v2;
	v5 =	vld [tilespmem:s28+$0xB4B0]  }
0x27f: {  	v7 =	vld [tilespmem:s28+$0xE6B0]  }
.Ltmp6:
0x280: {  	[tilespmem:s28+$0xB480] =	vst v0;
	v3 =	vadd.f32 v4, v3;
	v0 =	vld [tilespmem:s28+$0xB4C0];
	(pc) =	sbr.rel @p0 .LBB2_15-.Ltmp6, $4  }
0x281: {  	v2 =	vld [tilespmem:s28+$0xE6C0]  }
0x282: {  	[tilespmem:s28+$0xB490] =	vst v3;
	v4 =	vadd.f32 v6, v1;
	v1 =	vld [tilespmem:s28+$0xB4D0]  }
0x283: {  	v3 =	vld [tilespmem:s28+$0xE6D0]  }
0x284: {  	s10 =	sadd.s32 $0x800, s10;
	[tilespmem:s28+$0xB4A0] =	vst v4;
	v5 =	vadd.f32 v7, v5;
	v4 =	vld [tilespmem:s28+$0xB4E0]  }
0x285: {  	v6 =	vld [tilespmem:s28+$0xE6E0];
	_ =	sdelay $0x2  }
0x286: {  	v0 =	vadd.f32 v2, v0  }
0x287: {  	[tilespmem:s28+$0xB4B0] =	vst v5;
	v1 =	vadd.f32 v3, v1  }
0x288: {  	[tilespmem:s28+$0xB4C0] =	vst v0;
	v63 =	vadd.f32 v6, v4  }
0x289: {  	[tilespmem:s28+$0xB4D0] =	vst v1  }
0x28a: {  	[tilespmem:s28+$0xB4E0] =	vst v63  }
.LBB2_17:
0x28b: {  	s0 =	sshra.s32 s1, $0x2  }
0x28c: {  	v0 =	vld [tilespmem:s0+$0xCB00]  }
0x28d: {  	v1 =	vld [tilespmem:s0+$0xFD00]  }
0x28e: {  	v2 =	vld [tilespmem:s0+$0xCB10]  }
0x28f: {  	v3 =	vld [tilespmem:s0+$0xFD10]  }
0x290: {  	v4 =	vld [tilespmem:s0+$0xCB20]  }
0x291: {  	v5 =	vld [tilespmem:s0+$0xFD20]  }
0x292: {  	v6 =	vld [tilespmem:s0+$0xCB30]  }
0x293: {  	v7 =	vld [tilespmem:s0+$0xFD30];
	_ =	sdelay $0x1  }
0x294: {  	p0 =	sne.s32 s1, $0x300;
	v0 =	vadd.f32 v1, v0  }
.Ltmp7:
0x295: {  	v61 =	vadd.f32 v3, v2;
	(pc) =	sbr.rel @p0 .LBB2_17-.Ltmp7, $4  }
0x296: {  	v62 =	vadd.f32 v5, v4;
	[tilespmem:s0+$0xCB00] =	vst v0  }
0x297: {  	v63 =	vadd.f32 v7, v6;
	[tilespmem:s0+$0xCB10] =	vst v61  }
0x298: {  	[tilespmem:s0+$0xCB20] =	vst v62  }
0x299: {  	s1 =	sadd.s32 $0x100, s1;
	[tilespmem:s0+$0xCB30] =	vst v63  }
0x29a: {  	s26 =	sadd.s32 $0x1, s26  }
0x29b: {  	p0 =	sne.s32 s26, $0x40  }
.Ltmp8:
0x29c: {  	s0 =	sadd.s32 s6, s29;
	(pc) =	sbr.rel @p0 .LBB2_2-.Ltmp8, $3  }
0x29d: {  	s0 =	smul.u32 $0x320, s0;
	_ =	sdelay $0x1  }
0x29e: {  	s0 =	sadd.s32 s2, s0  }
0x29f: {  	[hbm4b:s0+s3] =	stream.linear.scatter [tilespmem:s17], [sflag:$0x8], $0x1900, $0x38;
	[tilespmem:$0xFE00] =	vst v63  }
0x2a0: {  	s25 =	sadd.s32 $0x1, s25  }
0x2a1: {  	_ =	swait.ge [sflag:s23], $0x1900;
	p0 =	sne.s32 s25, s8  }
.Ltmp9:
0x2a2: {  	[sflag:s23] =	ssyncset.done $0x0;
	(pc) =	sbr.rel @p0 .LBB2_1-.Ltmp9, $4  }
0x2a3: {  	[sflag:s23] =	ssyncadd.s32 $0xFFFFE700  }
0x2a4: {  	_ =	swait.ge [sflag:s24], $0x1900  }
0x2a5: {  	[sflag:s24] =	ssyncset.done $0x0  }
0x2a6: {  	[sflag:s24] =	ssyncadd.s32 $0xFFFFE700  }
0x2a7: {  	_ =	sfence.sel $0x180000  }
0x2a8: {  	[bflag:$0x0] =	sbarrier.arrive $0xFFFF  }
0x2a9: {  	_ =	strace $0x90000047  }
0x2aa: {  	s0 =	stileid.u32;
	[bflag:$0x2] =	sbarrier.arrive $0xFFFF  }
0x2ab: {  	p0 =	sne.s32 s0, $0x0;
	s0 =	rddreg [dreg:$0x2]  }
0x2ac: {  	s0 =	sadd.s32 @!p0 $0x100000, s0  }
0x2ad: {  	[sflag:s0] =	ssyncadd.tile.s32 @!p0 $0x1;
	_ =	shalt  }
.Lfunc_end2:
_tile_overlayer_lowered:
.L_overlay_start_2:
0x2ae: {  	(tag) =	ssettag $0x2  }
0x2af: {  	s0 =	rddreg [dreg:$0x0];
	s2 =	stileid.u32  }
0x2b0: {  	s1 =	rddreg [dreg:$0x1];
	p0 =	sne.s32 s2, $0x0  }
0x2b1: {  	s3 =	rddreg [dreg:$0x2];
	[bflag:$0x3] =	sbarrier.arrive $0xFFFF;
	s2 =	simm.s32 @!p0 $0x1C09  }
0x2b2: {  	[timem:s3], [sflag:s2] =	dma.local @!p0 [hbm:s0], s1  }
0x2b3: {  	s0 =	simm.s32 @!p0 $0x9  }
0x2b4: {  	_ =	swait.ge @!p0 [sflag:s0], s1  }
0x2b5: {  	s1 =	ssub.s32 @!p0 $0x0, s1;
	[sflag:s0] =	ssyncset.done @!p0 $0x0  }
0x2b6: {  	[sflag:s0] =	ssyncadd.s32 @!p0 s1  }
0x2b7: {  	[bflag:$0x3] =	sbarrier.arrive $0xFFFF  }
0x2b8: {  	_ =	shalt  }

// kernel: sparse-core-data-format-call.cloned.1.call-start
scs
called_computation_lowered:
.L_overlay_start_0:
0x0: {  	s2 =	sld [smem:$0x3FD9]  }
0x1: {  	s3 =	sld [smem:$0x3FFE];
	_ =	sdelay $0x1  }
0x2: {  	s1 =	srdreg.scid  }
0x3: {  	s0 =	sand.u32 $0x1, s1  }
0x4: {  	s18 =	sshll.u32 s0, $0xA;
	s2 =	sadd.s32 s3, s2  }
0x5: {  	s2 =	sadd.s32 s2, s18  }
0x6: {  	[smem:$0x3FC5] =	sst s2  }
0x7: {  	_ = 	snop  }
0x8: {  	s2 =	sld [smem:$0x3FD0];
	(tm) =	ssettm $0x1  }
0x9: {  	s19 =	sld [smem:$0x3FFB];
	_ =	sdelay $0x3  }
0xa: {  	_ =	strace s19  }
0xb: {  	s3 =	sld [smem:$0x3FFC];
	_ =	sdelay $0x3  }
0xc: {  	_ =	strace s3  }
0xd: {  	s3 =	sld [smem:$0x3FFD];
	_ =	sdelay $0x3  }
0xe: {  	_ =	strace s3  }
0xf: {  	_ =	strace $0x8FFFFFFF  }
0x10: {  	s20 =	sld [smem:$0x3FDB];
	_ =	sdelay $0x1  }
0x11: {  	s4 =	simm.s32 $_scs_section_size  }
0x12: {  	s5 =	simm.s32 $_size__tile_overlayer_lowered;
	s6 =	simm.s32 $_tile_overlayer_lowered  }
0x13: {  	s23 =	simm.s32 $0x1BFF;
	s22 =	sshll.u32 s6, $0x1;
	s3 =	sadd.s32 s4, s20  }
0x14: {  	s7 =	simm.s32 $0x0;
	s21 =	sshll.u32 s5, $0x1;
	s5 =	sadd.s32 s22, s3  }
0x15: {  	[timem:s7], [sflag:s23] =	dma.local [hbm:s5], s21  }
0x16: {  	_ =	swait.ge [sflag:s23], s21  }
0x17: {  	s4 =	ssub.s32 $0x0, s21;
	[sflag:s23] =	ssyncset.done $0x0  }
0x18: {  	[sflag:s23] =	ssyncadd.s32 s4;
	_ =	sdelay $0x1  }
0x19: {  	s24 =	simm.s32 $0x1B8B  }
0x1a: {  	_ =	swait.ge [sflag:s24], $0x1  }
0x1b: {  	[sflag:s24] =	ssyncset.done $0x0  }
0x1c: {  	s26 =	simm.s32 $0x1B8E;
	s25 =	sld [smem:$0x3FFE];
	[sflag:s24] =	ssyncadd.s32 $0xFFFFFFFF  }
0x1d: {  	s27 =	simm.s32 $execute0_lowered;
	[smem:$0x3FD2] =	sst s26  }
0x1e: {  	s5 =	sshll.u32 s27, $0x1;
	_ =	strace $0x80000049;
	[dreg:$0x1] =	wrdreg $0xFFFFFFFF  }
0x1f: {  	s28 =	simm.s32 $_size_execute0_lowered;
	s3 =	sadd.s32 s3, s5;
	[dreg:$0x0] =	wrdreg $0x0  }
0x20: {  	s5 =	sshll.u32 s28, $0x1;
	[dreg:$0x2] =	wrdreg s3  }
0x21: {  	[dreg:$0x3] =	wrdreg s5  }
0x22: {  	[dreg:$0x4] =	wrdreg $0xC0  }
0x23: {  	_ =	task [dreg:s7], $0x5FFFF  }
0x24: {  	[dreg:$0x1] =	wrdreg $0xFFFFFFFF  }
0x25: {  	[dreg:$0x0] =	wrdreg $0x60  }
0x26: {  	[dreg:$0x2] =	wrdreg s25  }
0x27: {  	[dreg:$0x3] =	wrdreg s2  }
0x28: {  	[dreg:$0x4] =	wrdreg $0x9  }
0x29: {  	_ =	task.clear_ibuf [dreg:s7], $0x5FFFF;
	_ =	strace $0x90000049  }
0x2a: {  	s29 =	simm.s32 $0x9;
	_ =	strace $0x8000004B  }
0x2b: {  	_ =	swait.ge [sflag:s29], $0x1  }
0x2c: {  	[sflag:s29] =	ssyncadd.s32 $0xFFFFFFFF  }
0x2d: {  	_ =	strace $0x9000004B  }
0x2e: {  	_ =	sfence  }
0x2f: {  	s30 =	sld [smem:$0x0];
	_ =	sdelay $0x2  }
0x30: {  	s31 =	sshll.u32 s1, $0xD;
	s1 =	sshrl.u32 s1, $0x2  }
0x31: {  	s3 =	sand.u32 $0x4000, s31;
	s1 =	sadd.s32 s1, s30  }
0x32: {  	s0 =	sor.u32 s3, s0;
	s1 =	sshll.u32 s1, $0x11  }
0x33: {  	s0 =	sor.u32 s1, s0  }
0x34: {  	s0 =	sadd.s32 $0x8F2B, s0  }
0x35: {  	[sflag:s0] =	ssyncadd.remote.s32 $0x1  }
0x36: {  	_ =	sfence.sel $0xFFFF  }
0x37: {  	[dreg:$0x0] =	wrdreg $0xFFFFFFFF;
	(pc) =	sbr.abs _section_cstart, $3  }
0x38: {  	[dreg:$0x1] =	wrdreg $0xFFFFFFFF  }
0x39: {  	_ =	task.clear_ibuf [dreg:s7], $0x2FFFF;
	_ =	strace $0x9FFFFFFF  }
0x3a: {  	(tm) =	ssettm $0x7FFFFFFF  }
0x3b: {  	_ =	shalt  }
tec
execute0_lowered:
.L_overlay_start_1:
0x0: {  	(tag) =	ssettag $0x1  }
0x1: {  	s0 =	srdreg.scid  }
0x2: {  	s1 =	sshll.u32 s0, $0x4  }
0x3: {  	s0 =	stileid.u32;
	s1 =	sand.u32 $0x10, s1  }
0x4: {  	s1 =	sor.u32 s0, s1  }
0x5: {  	s6 =	rddreg [dreg:$0x0];
	s4 =	simm.s32 $0x1;
	s2 =	sshll.u32 s1, $0x7  }
0x6: {  	s7 =	simm.s32 $0x2;
	s12 =	simm.s32 $0x0;
	s1 =	ssub.s32 $0x1000, s2  }
0x7: {  	s8 =	simm.s32 $0x8000;
	s13 =	simm.s32 $0x0;
	s3 =	sand.u32 $0xF80, s1  }
0x8: {  	s9 =	simm.s32 $0x0;
	s5 =	sshrl.u32 s1, $0xC;
	p0 =	sne.s32 s3, $0x0  }
.Ltmp0:
0x9: {  	s1 =	rddreg [dreg:$0x2];
	s4 =	simm.s32 @!p0 $0x0;
	(pc) =	sbr.rel .LBB1_1-.Ltmp0, $4  }
0xa: {  	s11 =	simm.s32 $0x0;
	s3 =	rddreg [dreg:$0x1];
	s5 =	sadd.s32 s4, s5  }
0xb: {  	_ =	strace $0x8000004A;
	s4 =	simm.s32 $0x1;
	s5 =	smul.u32 $0xC8, s5  }
0xc: {  	s6 =	sadd.s32 $0xA00, s6;
	s10 =	smov.u32 s2;
	[sflag:s4] =	ssyncpa.u1 $0x0  }
0xd: {  	p0 =	por $0x0, $0x0;
	[sflag:s7] =	ssyncpa.u1 $0x0;
	s7 =	sor.u32 $0x1, s5  }
.LBB1_4:
0xe: {  	s16 =	sshll.u32 s13, $0x3;
	s17 =	sand.u32 $0x78, s13  }
0xf: {  	s30 =	sand.u32 $0x7E00, s13;
	s12 =	sshll.u32 s12, $0xF;
	s16 =	sand.u32 $0xC00, s16  }
0x10: {  	[tilespmem:s15+$0x810 ss:$0x81] =	vst.msk $0xffff, v2;
	s31 =	sand.u32 $0x7, s13;
	s16 =	sor.u32 s17, s16;
	s17 =	sadd.s32 s3, s30  }
0x11: {  	[tilespmem:s15+$0x1020 ss:$0x81] =	vst.msk $0xffff, v0;
	s13 =	sshll.u32 s31, $0x12;
	s12 =	sadd.s32 s12, s17;
	s16 =	sshrl.u32 s16, $0x3  }
0x12: {  	[tilespmem:s15+$0x0 ss:$0x81] =	vst.msk $0xffff, v1;
	s13 =	sor.u32 $0x400, s13;
	s12 =	sadd.s32 s16, s12  }
0x13: {  	[hbm4b:s12+s13] =	stream.strided.scatter [tilespmem:s14], [sflag:$0x2], $0x2000, s8, s13, $0x20;
	[tilespmem:$0x8080] =	vst v63  }
.LBB1_5:
0x14: {  	s14 =	sadd.s32 $0x1, s9  }
0x15: {  	s12 =	sadd.s32 $0x1000, s10;
	s16 =	smov.u32 s10;
	p2 =	sgt.s32 s14, $0xC7  }
0x16: {  	s16 =	smov.u32 @p2 s12  }
0x17: {  	s14 =	simm.s32 @p2 $0x0;
	p2 =	sgt.s32 s16, $0xFFF  }
0x18: {  	s16 =	smov.u32 @p2 s2;
	p2 =	sne.s32 s11, s7  }
.Ltmp1:
0x19: {  	p1 =	slt.u32 s11, $0x2;
	(pc) =	sbr.rel @!p2 .LBB1_6-.Ltmp1, $4  }
0x1a: {  	s15 =	simm.s32 @!p1 $0x2  }
0x1b: {  	s13 =	smov.u32 s10;
	p0 =	por !p0, !p0;
	_ =	swait.ge @!p1 [sflag:s15], $0x2000  }
0x1c: {  	s12 =	smov.u32 s9;
	[sflag:s15] =	ssyncset.done @!p1 $0x0;
	s9 =	smov.u32 s14  }
0x1d: {  	s11 =	sadd.s32 $0x1, s11;
	[sflag:s15] =	ssyncadd.s32 @!p1 $0xFFFFE000;
	s10 =	smov.u32 s16  }
.LBB1_1:
0x1e: {  	p1 =	sge.u32 s11, s5  }
0x1f: {  	s14 =	sand.u32 @!p1 $0x1FFFFFF, s9  }
0x20: {  	s15 =	smulhi.u32 @!p1 $0x147AE15, s14;
	_ =	sdelay $0x1  }
0x21: {  	s15 =	smul.u32 @!p1 $0xC8, s15  }
0x22: {  	s16 =	sxor.u32 @!p1 $0xFFFFFFFF, s11;
	s17 =	smul.u32 @!p1 $0xC80, s10  }
0x23: {  	s31 =	sadd.s32 $0xFFFFFFFF, s11;
	s16 =	sshll.u32 @!p1 s16, $0xD;
	s14 =	ssub.s32 @!p1 s14, s15  }
0x24: {  	s15 =	sand.u32 @!p1 $0x2000, s16;
	s16 =	sadd.s32 @!p1 s6, s17;
	s14 =	sshll.u32 @!p1 s14, $0x4  }
0x25: {  	s17 =	simm.s32 @!p1 $0x6400;
	s14 =	sadd.s32 @!p1 s14, s16;
	s16 =	simm.s32 @!p1 $0x40  }
0x26: {  	[tilespmem:s15], [sflag:$0x1] =	stream.strided.gather @!p1 [hbm4b:s14+s16], $0x2000, s17, s16, $0x38;
	[tilespmem:$0x8080] =	vst v63  }
0x27: {  	p1 =	sge.u32 s31, s5  }
.Ltmp2:
0x28: {  	_ = 	snop;
	(pc) =	sbr.rel @p1 .LBB1_5-.Ltmp2, $1  }
0x29: {  	_ =	sdelay $0x3  }
0x2a: {  	s14 =	simm.s32 $0x1  }
0x2b: {  	_ =	swait.ge [sflag:s4], $0x2000;
	s14 =	simm.s32 @!p0 $0x0  }
0x2c: {  	[sflag:s4] =	ssyncset.done $0x0;
	s15 =	sshll.u32 s14, $0xD  }
0x2d: {  	[sflag:s4] =	ssyncadd.s32 $0xFFFFE000;
	s18 =	sor.u32 $0x20, s15  }
0x2e: {  	s14 =	smul.u32 $0x8100, s14;
	v3 =	vld [tilespmem:s18+$0x10]  }
0x2f: {  	s30 =	sand.u32 $0x1, s11;
	v2 =	vld [tilespmem:s18+$0xFFFFFFF0]  }
0x30: {  	s15 =	smul.u32 $0x8100, s30;
	s14 =	sshrl.u32 s14, $0x2;
	v0 =	vld [tilespmem:s18+$0x0]  }
0x31: {  	v1 =	vld [tilespmem:s18+$0xFFFFFFE0];
	s16 =	sor.u32 $0x4000, s14  }
0x32: {  	s31 =	sshrl.u32 s15, $0x2;
	s15 =	sadd.s32 $0x0, s16  }
0x33: {  	s17 =	simm.s32 $0x4;
	s18 =	sadd.s32 $0x40, s18;
	s14 =	sor.u32 $0x4000, s31;
	[tilespmem:s15+$0x1830 ss:$0x81] =	vst.msk $0xffff, v3  }
.LBB1_3:
0x34: {  	v3 =	vld [tilespmem:s18+$0x10];
	p1 =	sne.s32 s17, $0x1FC;
	[tilespmem:s15+$0x810 ss:$0x81] =	vst.msk $0xffff, v2;
	s19 =	smov.u32 s17;
	s17 =	sadd.s32 $0x4, s17  }
.Ltmp3:
0x35: {  	v2 =	vld [tilespmem:s18+$0xFFFFFFF0];
	[tilespmem:s15+$0x1020 ss:$0x81] =	vst.msk $0xffff, v0;
	(pc) =	sbr.rel @p1 .LBB1_3-.Ltmp3, $4  }
0x36: {  	v0 =	vld [tilespmem:s18+$0x0];
	[tilespmem:s15+$0x0 ss:$0x81] =	vst.msk $0xffff, v1  }
0x37: {  	s15 =	sshra.s32 s19, $0x2;
	v1 =	vld [tilespmem:s18+$0xFFFFFFE0]  }
0x38: {  	s15 =	sadd.s32 s15, s16  }
0x39: {  	s18 =	sadd.s32 $0x40, s18;
	[tilespmem:s15+$0x1830 ss:$0x81] =	vst.msk $0xffff, v3  }
.Ltmp4:
0x3a: {  	_ = 	snop;
	(pc) =	sbr.rel .LBB1_4-.Ltmp4, $1  }
0x3b: {  	_ =	sdelay $0x3  }
.LBB1_6:
0x3c: {  	_ =	sfence.sel $0x180000  }
0x3d: {  	s2 =	simm.s32 $0x1;
	[bflag:$0x0] =	sbarrier.arrive $0xFFFF  }
0x3e: {  	s31 =	simm.s32 $0x2;
	[sflag:s2] =	ssyncpa.u1 $0x1  }
0x3f: {  	[sflag:s31] =	ssyncpa.u1 $0x1  }
0x40: {  	p0 =	sne.s32 s0, $0x0;
	_ =	strace $0x9000004A  }
0x41: {  	s0 =	sadd.s32 @!p0 $0x100000, s1;
	[bflag:$0x2] =	sbarrier.arrive $0xFFFF  }
0x42: {  	[sflag:s0] =	ssyncadd.tile.s32 @!p0 $0x1;
	_ =	shalt  }
.Lfunc_end1:
_tile_overlayer_lowered:
.L_overlay_start_2:
0x43: {  	(tag) =	ssettag $0x2  }
0x44: {  	s0 =	rddreg [dreg:$0x0];
	s2 =	stileid.u32  }
0x45: {  	s1 =	rddreg [dreg:$0x1];
	p0 =	sne.s32 s2, $0x0  }
0x46: {  	s3 =	rddreg [dreg:$0x2];
	[bflag:$0x3] =	sbarrier.arrive $0xFFFF;
	s2 =	simm.s32 @!p0 $0x1C01  }
0x47: {  	[timem:s3], [sflag:s2] =	dma.local @!p0 [hbm:s0], s1  }
0x48: {  	s0 =	simm.s32 @!p0 $0x1  }
0x49: {  	_ =	swait.ge @!p0 [sflag:s0], s1  }
0x4a: {  	s1 =	ssub.s32 @!p0 $0x0, s1;
	[sflag:s0] =	ssyncset.done @!p0 $0x0  }
0x4b: {  	[sflag:s0] =	ssyncadd.s32 @!p0 s1  }
0x4c: {  	[bflag:$0x3] =	sbarrier.arrive $0xFFFF  }
0x4d: {  	_ =	shalt  }

</sc_bundles>
